<compile_context>
chip_gen: v7x
topology: tpu7x:2x2x1
jax: 0.10.2.dev20260603
libtpu: 0.0.44.dev20260713+nightly
codegen_flags: <defaults>
</compile_context>

<pallas_src>
import functools
import math

import jax
import jax.numpy as jnp
from jax import lax
from jax.experimental import pallas as pl
from jax.experimental.pallas import tpu as pltpu
from jax.experimental.pallas import tpu_sc as plsc

D_MODEL = 64
SCALE = math.sqrt(D_MODEL)
NUM_CORES = 2
NUM_SUBCORES = 16
NUM_WORKERS = NUM_CORES * NUM_SUBCORES
LANES = 16
SEQ = 200
BATCH = 4096
BLK = BATCH // NUM_WORKERS


def _make_kernel():
    mesh = plsc.VectorSubcoreMesh(
        core_axis_name="c", subcore_axis_name="s",
        num_cores=NUM_CORES, num_subcores=NUM_SUBCORES)

    @functools.partial(
        pl.kernel,
        out_type=jax.ShapeDtypeStruct((SEQ, D_MODEL, BATCH), jnp.float32),
        mesh=mesh,
        scratch_types=[
            pltpu.VMEM((SEQ, BLK), jnp.int32),
            pltpu.VMEM((BLK, 128), jnp.float32),
            pltpu.VMEM((BLK, 128), jnp.float32),
            pltpu.VMEM((D_MODEL, BLK), jnp.float32),
            pltpu.VMEM((D_MODEL, BLK), jnp.float32),
            pltpu.SemaphoreType.DMA,
            pltpu.SemaphoreType.DMA,
            pltpu.SemaphoreType.DMA,
            pltpu.SemaphoreType.DMA,
        ],
        compiler_params=pltpu.CompilerParams(
            use_tc_tiling_on_sc=True, needs_layout_passes=False),
    )
    def emb_kernel(xt_hbm, tc_hbm, out_hbm, idx_all,
                   gbuf0, gbuf1, obuf0, obuf1, gsem0, gsem1, ssem0, ssem1):
        wid = lax.axis_index("s") * NUM_CORES + lax.axis_index("c")
        col = wid * BLK
        gbufs = (gbuf0, gbuf1)
        obufs = (obuf0, obuf1)
        gsems = (gsem0, gsem1)
        ssems = (ssem0, ssem1)
        iota = lax.iota(jnp.int32, LANES)

        pltpu.sync_copy(xt_hbm.at[:, pl.ds(col, BLK)], idx_all)

        def gather(s, p):
            pltpu.async_copy(tc_hbm.at[idx_all.at[s]], gbufs[p], gsems[p])

        def gather_wait(s, p):
            pltpu.make_async_copy(
                tc_hbm.at[idx_all.at[s]], gbufs[p], gsems[p]).wait()

        def store(s, p):
            pltpu.async_copy(
                obufs[p], out_hbm.at[s, :, pl.ds(col, BLK)], ssems[p])

        def store_wait(s, p):
            pltpu.make_async_copy(
                obufs[p], out_hbm.at[s, :, pl.ds(col, BLK)], ssems[p]).wait()

        def transpose_item(s, p):
            gb = gbufs[p]
            ob = obufs[p]
            for k in range(BLK // LANES):
                sl = pl.ds(k * LANES, LANES)
                b_idx = iota + (k * LANES)

                def f_body(f, cv):
                    vec = plsc.load_gather(gb, [b_idx, cv])
                    ob[f, sl] = vec * SCALE
                    return cv + 1

                plsc.parallel_loop(
                    0, D_MODEL, 1, unroll=8,
                    carry=jnp.zeros((LANES,), jnp.int32))(f_body)
            store(s, p)

        gather(0, 0)

        def loop_body(i, carry):
            s = i * 2
            gather(s + 1, 1)
            gather_wait(s, 0)

            @pl.when(s >= 2)
            def _():
                store_wait(s - 2, 0)

            transpose_item(s, 0)

            @pl.when(s + 2 < SEQ)
            def _():
                gather(s + 2, 0)

            gather_wait(s + 1, 1)

            @pl.when(s >= 2)
            def _():
                store_wait(s - 1, 1)

            transpose_item(s + 1, 1)
            return carry

        lax.fori_loop(0, SEQ // 2, loop_body, 0, unroll=False)
        store_wait(SEQ - 2, 0)
        store_wait(SEQ - 1, 1)

    return emb_kernel


@jax.jit
def _embed(xt, tc):
    return _make_kernel()(xt, tc)


def kernel(x, table):
    xt = x.T.astype(jnp.int32)
    tc = jnp.concatenate([table, jnp.zeros((1000000, 64), jnp.float32)], axis=1)
    out3 = _embed(xt, tc)
    return jnp.transpose(out3, (2, 0, 1))

# --- scband reference (transcript-rebuilt; emitter-appended) ---
"""Pipeline reference for scband-input-embeddings-687194767383 (READ-ONLY COPY).

The authoritative reference and input builder live on the scoring server;
editing this copy changes nothing except your own understanding.
"""

import jax, jax.numpy as jnp
import numpy as np
import math

D_MODEL = 64
VOCAB_SIZE = 1000000

def setup_inputs(seed: int = 0) -> dict:
    key = jax.random.key(seed)
    k1, k2 = jax.random.split(key)
    x = jax.random.randint(k1, (4096, 200), 0, VOCAB_SIZE, dtype=jnp.int64 if jax.config.jax_enable_x64 else jnp.int32)
    table = jax.random.normal(k2, (VOCAB_SIZE, D_MODEL), dtype=jnp.float32)
    return {"x": x, "table": table}

def reference(x, table):
    # InputEmbeddings.forward: embedding(x) * sqrt(d_model)
    emb = jnp.take(table, x, axis=0)
    return emb * math.sqrt(D_MODEL)

if __name__ == "__main__":
    import jax
    _d = setup_inputs()
    print(jax.jit(kernel)(*tuple(_d.values())))

</pallas_src>

<mosaic_0001>
#map = affine_map<(d0, d1) -> (0, 0)>
#map1 = affine_map<(d0, d1) -> (0, 0, 0)>
module attributes {stable_mosaic.version = 14 : i64} {
  func.func @emb_kernel(%arg0: i32, %arg1: i32, %arg2: memref<200x4096xi32, #tpu.memory_space<hbm>>, %arg3: memref<1000000x128xf32, #tpu.memory_space<hbm>>, %arg4: memref<200x64x4096xf32, #tpu.memory_space<hbm>>, %arg5: memref<200x128xi32, #tpu.memory_space<vmem>>, %arg6: memref<128x128xf32, #tpu.memory_space<vmem>>, %arg7: memref<128x128xf32, #tpu.memory_space<vmem>>, %arg8: memref<64x128xf32, #tpu.memory_space<vmem>>, %arg9: memref<64x128xf32, #tpu.memory_space<vmem>>, %arg10: memref<!tpu.dma_semaphore, #tpu.memory_space<semaphore_mem>>, %arg11: memref<!tpu.dma_semaphore, #tpu.memory_space<semaphore_mem>>, %arg12: memref<!tpu.dma_semaphore, #tpu.memory_space<semaphore_mem>>, %arg13: memref<!tpu.dma_semaphore, #tpu.memory_space<semaphore_mem>>) attributes {dimension_semantics = [#tpu.dimension_semantics<core_parallel>, #tpu.dimension_semantics<subcore_parallel>], iteration_bounds = array<i64: 2, 16>, scalar_prefetch = 0 : i64, scratch_operands = 9 : i64, tpu.core_type = #tpu.core_type<sc_vector_subcore>, window_params = [{transform_indices = #map}, {transform_indices = #map}, {transform_indices = #map1}]} {
    %mul3A = arith.constant 2 : i32
    %mul3A_0 = arith.muli %arg1, %mul3A : i32
    %add3A = arith.addi %mul3A_0, %arg0 : i32
    %mul3A_1 = arith.constant 128 : i32
    %mul3A_2 = arith.muli %add3A, %mul3A_1 : i32
    %iota3A = tpu.iota {dimensions = array<i32: 0>} : vector<16xi32>
    "tpu.region"() ({
      %run_scoped3A = tpu.sem_alloc : memref<!tpu.dma_semaphore, #tpu.memory_space<semaphore_mem>>
      %dma_start3A_27 = arith.constant 0 : i32
      %dma_start3A_28 = tpu.memref_slice %arg2[%dma_start3A_27, %mul3A_2] : memref<200x4096xi32, #tpu.memory_space<hbm>> -> memref<200x128xi32, #tpu.memory_space<hbm>>
      %dma_start3A_29 = arith.constant 0 : i32
      %dma_start3A_30 = tpu.memref_slice %arg2[%dma_start3A_29, %mul3A_2] : memref<200x4096xi32, #tpu.memory_space<hbm>> -> memref<200x128xi32, #tpu.memory_space<hbm>>
      tpu.enqueue_dma source(%dma_start3A_30 : memref<200x128xi32, #tpu.memory_space<hbm>>) target(%arg5 : memref<200x128xi32, #tpu.memory_space<vmem>>) target_semaphore(%run_scoped3A : memref<!tpu.dma_semaphore, #tpu.memory_space<semaphore_mem>>)
      %dma_wait3A_31 = arith.constant 0 : i32
      %dma_wait3A_32 = tpu.memref_slice %arg2[%dma_wait3A_31, %mul3A_2] : memref<200x4096xi32, #tpu.memory_space<hbm>> -> memref<200x128xi32, #tpu.memory_space<hbm>>
      %dma_wait3A_33 = arith.constant 0 : i32
      %dma_wait3A_34 = tpu.memref_slice %arg2[%dma_wait3A_33, %mul3A_2] : memref<200x4096xi32, #tpu.memory_space<hbm>> -> memref<200x128xi32, #tpu.memory_space<hbm>>
      tpu.wait_dma2 semaphore(%run_scoped3A : memref<!tpu.dma_semaphore, #tpu.memory_space<semaphore_mem>>) src(%dma_wait3A_34 : memref<200x128xi32, #tpu.memory_space<hbm>>) dst(%arg5 : memref<200x128xi32, #tpu.memory_space<vmem>>)
      tpu.yield
    }) : () -> ()
    %dma_start3A = arith.constant 0 : i32
    %dma_start3A_3 = arith.constant 0 : i32
    %dma_start3A_4 = tpu.memref_slice %arg5[%dma_start3A, %dma_start3A_3] : memref<200x128xi32, #tpu.memory_space<vmem>> -> memref<1x128xi32, #tpu.memory_space<vmem>>
    %dma_start3A_5 = tpu.memref_squeeze %dma_start3A_4 : memref<1x128xi32, #tpu.memory_space<vmem>> -> memref<128xi32, #tpu.memory_space<vmem>>
    %dma_start3A_6 = arith.constant 0 : i32
    %dma_start3A_7 = arith.constant 0 : i32
    %dma_start3A_8 = tpu.memref_slice %arg3[%dma_start3A_6, %dma_start3A_7] : memref<1000000x128xf32, #tpu.memory_space<hbm>> -> memref<1000000x128xf32, #tpu.memory_space<hbm>>
    tpu.enqueue_indirect_dma source(%dma_start3A_8 : memref<1000000x128xf32, #tpu.memory_space<hbm>>) target(%arg6 : memref<128x128xf32, #tpu.memory_space<vmem>>) offsets(%dma_start3A_5 : memref<128xi32, #tpu.memory_space<vmem>>) semaphore(%arg10 : memref<!tpu.dma_semaphore, #tpu.memory_space<semaphore_mem>>)
    %scan3A = arith.constant 0 : i32
    %scan3A_9 = arith.constant 0 : i32
    %scan3A_10 = arith.constant 100 : i32
    %scan3A_11 = arith.addi %scan3A_9, %scan3A_10 : i32
    %scan3A_12 = arith.constant 1 : i32
    scf.for %scan3A_27 = %scan3A_9 to %scan3A_11 step %scan3A_12  : i32 {
      %mul3A_28 = arith.constant 2 : i32
      %mul3A_29 = arith.muli %scan3A_27, %mul3A_28 : i32
      %add3A_30 = arith.constant 1 : i32
      %add3A_31 = arith.addi %mul3A_29, %add3A_30 : i32
      %dma_start3A_32 = arith.constant 0 : i32
      %dma_start3A_33 = tpu.memref_slice %arg5[%add3A_31, %dma_start3A_32] : memref<200x128xi32, #tpu.memory_space<vmem>> -> memref<1x128xi32, #tpu.memory_space<vmem>>
      %dma_start3A_34 = tpu.memref_squeeze %dma_start3A_33 : memref<1x128xi32, #tpu.memory_space<vmem>> -> memref<128xi32, #tpu.memory_space<vmem>>
      %dma_start3A_35 = arith.constant 0 : i32
      %dma_start3A_36 = arith.constant 0 : i32
      %dma_start3A_37 = tpu.memref_slice %arg3[%dma_start3A_35, %dma_start3A_36] : memref<1000000x128xf32, #tpu.memory_space<hbm>> -> memref<1000000x128xf32, #tpu.memory_space<hbm>>
      tpu.enqueue_indirect_dma source(%dma_start3A_37 : memref<1000000x128xf32, #tpu.memory_space<hbm>>) target(%arg7 : memref<128x128xf32, #tpu.memory_space<vmem>>) offsets(%dma_start3A_34 : memref<128xi32, #tpu.memory_space<vmem>>) semaphore(%arg11 : memref<!tpu.dma_semaphore, #tpu.memory_space<semaphore_mem>>)
      %dma_wait3A_38 = arith.constant 0 : i32
      %dma_wait3A_39 = tpu.memref_slice %arg5[%mul3A_29, %dma_wait3A_38] : memref<200x128xi32, #tpu.memory_space<vmem>> -> memref<1x128xi32, #tpu.memory_space<vmem>>
      %dma_wait3A_40 = tpu.memref_squeeze %dma_wait3A_39 : memref<1x128xi32, #tpu.memory_space<vmem>> -> memref<128xi32, #tpu.memory_space<vmem>>
      %dma_wait3A_41 = arith.constant 0 : i32
      %dma_wait3A_42 = arith.constant 0 : i32
      %dma_wait3A_43 = tpu.memref_slice %arg3[%dma_wait3A_41, %dma_wait3A_42] : memref<1000000x128xf32, #tpu.memory_space<hbm>> -> memref<1000000x128xf32, #tpu.memory_space<hbm>>
      tpu.wait_indirect_dma semaphore(%arg10 : memref<!tpu.dma_semaphore, #tpu.memory_space<semaphore_mem>>) src(%dma_wait3A_43 : memref<1000000x128xf32, #tpu.memory_space<hbm>>) dst(%arg6 : memref<128x128xf32, #tpu.memory_space<vmem>>)
      %ge3A = arith.constant 2 : i32
      %ge3A_44 = arith.cmpi sge, %mul3A_29, %ge3A : i32
      %convert_element_type3A = arith.extui %ge3A_44 : i1 to i32
      %cond3A = arith.constant 0 : i32
      %cond3A_45 = arith.cmpi ne, %convert_element_type3A, %cond3A : i32
      scf.if %cond3A_45 {
        %sub3A = arith.constant 2 : i32
        %sub3A_221 = arith.subi %mul3A_29, %sub3A : i32
        %dma_wait3A_222 = arith.constant 0 : i32
        %dma_wait3A_223 = tpu.memref_slice %arg4[%sub3A_221, %dma_wait3A_222, %mul3A_2] : memref<200x64x4096xf32, #tpu.memory_space<hbm>> -> memref<1x64x128xf32, #tpu.memory_space<hbm>>
        %dma_wait3A_224 = tpu.memref_squeeze %dma_wait3A_223 : memref<1x64x128xf32, #tpu.memory_space<hbm>> -> memref<64x128xf32, #tpu.memory_space<hbm>>
        %dma_wait3A_225 = arith.constant 0 : i32
        %dma_wait3A_226 = tpu.memref_slice %arg4[%sub3A_221, %dma_wait3A_225, %mul3A_2] : memref<200x64x4096xf32, #tpu.memory_space<hbm>> -> memref<1x64x128xf32, #tpu.memory_space<hbm>>
        %dma_wait3A_227 = tpu.memref_squeeze %dma_wait3A_226 : memref<1x64x128xf32, #tpu.memory_space<hbm>> -> memref<64x128xf32, #tpu.memory_space<hbm>>
        tpu.wait_dma2 semaphore(%arg12 : memref<!tpu.dma_semaphore, #tpu.memory_space<semaphore_mem>>) src(%arg8 : memref<64x128xf32, #tpu.memory_space<vmem>>) dst(%dma_wait3A_227 : memref<64x128xf32, #tpu.memory_space<hbm>>)
      } else {
      }
      %add3A_46 = arith.constant 0 : i32
      %add3A_47 = vector.broadcast %add3A_46 : i32 to vector<16xi32>
      %add3A_48 = arith.addi %iota3A, %add3A_47 : vector<16xi32>
      %broadcast_in_dim3A = arith.constant 0 : i32
      %broadcast_in_dim3A_49 = vector.broadcast %broadcast_in_dim3A : i32 to vector<16xi32>
      %parallel_loop3A = arith.constant 0 : i32
      %parallel_loop3A_50 = arith.constant 64 : i32
      %parallel_loop3A_51 = arith.constant 1 : i32
      %parallel_loop3A_52 = scf.for %parallel_loop3A_221 = %parallel_loop3A to %parallel_loop3A_50 step %parallel_loop3A_51 iter_args(%parallel_loop3A_222 = %broadcast_in_dim3A_49) -> (vector<16xi32>)  : i32 {
        %parallel_loop3A_223 = tpu.vector_load_idx %arg6[%add3A_48, %parallel_loop3A_222] : memref<128x128xf32, #tpu.memory_space<vmem>>[vector<16xi32>, vector<16xi32>], vector<16xf32>,
        %parallel_loop3A_224 = arith.constant 8.000000e+00 : f32
        %parallel_loop3A_225 = vector.broadcast %parallel_loop3A_224 : f32 to vector<16xf32>
        %parallel_loop3A_226 = arith.mulf %parallel_loop3A_223, %parallel_loop3A_225 : vector<16xf32>
        %parallel_loop3A_227 = arith.index_cast %parallel_loop3A_221 : i32 to index
        %parallel_loop3A_228 = arith.constant 0 : index
        %parallel_loop3A_229 = tpu.vector_load %arg8[%parallel_loop3A_227, %parallel_loop3A_228] {strides = array<i32>} : memref<64x128xf32, #tpu.memory_space<vmem>>, vector<16xf32>,
        tpu.vector_store %arg8[%parallel_loop3A_227, %parallel_loop3A_228], %parallel_loop3A_226 {strides = array<i32>} : memref<64x128xf32, #tpu.memory_space<vmem>>, vector<16xf32>,
        %parallel_loop3A_230 = arith.constant 1 : i32
        %parallel_loop3A_231 = vector.broadcast %parallel_loop3A_230 : i32 to vector<16xi32>
        %parallel_loop3A_232 = arith.addi %parallel_loop3A_222, %parallel_loop3A_231 : vector<16xi32>
        scf.yield %parallel_loop3A_232 : vector<16xi32>
      } {sc.loop_unroll_factor = 8 : i64, sc.parallel_access}
      %add3A_53 = arith.constant 16 : i32
      %add3A_54 = vector.broadcast %add3A_53 : i32 to vector<16xi32>
      %add3A_55 = arith.addi %iota3A, %add3A_54 : vector<16xi32>
      %broadcast_in_dim3A_56 = arith.constant 0 : i32
      %broadcast_in_dim3A_57 = vector.broadcast %broadcast_in_dim3A_56 : i32 to vector<16xi32>
      %parallel_loop3A_58 = arith.constant 0 : i32
      %parallel_loop3A_59 = arith.constant 64 : i32
      %parallel_loop3A_60 = arith.constant 1 : i32
      %parallel_loop3A_61 = scf.for %parallel_loop3A_221 = %parallel_loop3A_58 to %parallel_loop3A_59 step %parallel_loop3A_60 iter_args(%parallel_loop3A_222 = %broadcast_in_dim3A_57) -> (vector<16xi32>)  : i32 {
        %parallel_loop3A_223 = tpu.vector_load_idx %arg6[%add3A_55, %parallel_loop3A_222] : memref<128x128xf32, #tpu.memory_space<vmem>>[vector<16xi32>, vector<16xi32>], vector<16xf32>,
        %parallel_loop3A_224 = arith.constant 8.000000e+00 : f32
        %parallel_loop3A_225 = vector.broadcast %parallel_loop3A_224 : f32 to vector<16xf32>
        %parallel_loop3A_226 = arith.mulf %parallel_loop3A_223, %parallel_loop3A_225 : vector<16xf32>
        %parallel_loop3A_227 = arith.index_cast %parallel_loop3A_221 : i32 to index
        %parallel_loop3A_228 = arith.constant 16 : index
        %parallel_loop3A_229 = tpu.vector_load %arg8[%parallel_loop3A_227, %parallel_loop3A_228] {strides = array<i32>} : memref<64x128xf32, #tpu.memory_space<vmem>>, vector<16xf32>,
        tpu.vector_store %arg8[%parallel_loop3A_227, %parallel_loop3A_228], %parallel_loop3A_226 {strides = array<i32>} : memref<64x128xf32, #tpu.memory_space<vmem>>, vector<16xf32>,
        %parallel_loop3A_230 = arith.constant 1 : i32
        %parallel_loop3A_231 = vector.broadcast %parallel_loop3A_230 : i32 to vector<16xi32>
        %parallel_loop3A_232 = arith.addi %parallel_loop3A_222, %parallel_loop3A_231 : vector<16xi32>
        scf.yield %parallel_loop3A_232 : vector<16xi32>
      } {sc.loop_unroll_factor = 8 : i64, sc.parallel_access}
      %add3A_62 = arith.constant 32 : i32
      %add3A_63 = vector.broadcast %add3A_62 : i32 to vector<16xi32>
      %add3A_64 = arith.addi %iota3A, %add3A_63 : vector<16xi32>
      %broadcast_in_dim3A_65 = arith.constant 0 : i32
      %broadcast_in_dim3A_66 = vector.broadcast %broadcast_in_dim3A_65 : i32 to vector<16xi32>
      %parallel_loop3A_67 = arith.constant 0 : i32
      %parallel_loop3A_68 = arith.constant 64 : i32
      %parallel_loop3A_69 = arith.constant 1 : i32
      %parallel_loop3A_70 = scf.for %parallel_loop3A_221 = %parallel_loop3A_67 to %parallel_loop3A_68 step %parallel_loop3A_69 iter_args(%parallel_loop3A_222 = %broadcast_in_dim3A_66) -> (vector<16xi32>)  : i32 {
        %parallel_loop3A_223 = tpu.vector_load_idx %arg6[%add3A_64, %parallel_loop3A_222] : memref<128x128xf32, #tpu.memory_space<vmem>>[vector<16xi32>, vector<16xi32>], vector<16xf32>,
        %parallel_loop3A_224 = arith.constant 8.000000e+00 : f32
        %parallel_loop3A_225 = vector.broadcast %parallel_loop3A_224 : f32 to vector<16xf32>
        %parallel_loop3A_226 = arith.mulf %parallel_loop3A_223, %parallel_loop3A_225 : vector<16xf32>
        %parallel_loop3A_227 = arith.index_cast %parallel_loop3A_221 : i32 to index
        %parallel_loop3A_228 = arith.constant 32 : index
        %parallel_loop3A_229 = tpu.vector_load %arg8[%parallel_loop3A_227, %parallel_loop3A_228] {strides = array<i32>} : memref<64x128xf32, #tpu.memory_space<vmem>>, vector<16xf32>,
        tpu.vector_store %arg8[%parallel_loop3A_227, %parallel_loop3A_228], %parallel_loop3A_226 {strides = array<i32>} : memref<64x128xf32, #tpu.memory_space<vmem>>, vector<16xf32>,
        %parallel_loop3A_230 = arith.constant 1 : i32
        %parallel_loop3A_231 = vector.broadcast %parallel_loop3A_230 : i32 to vector<16xi32>
        %parallel_loop3A_232 = arith.addi %parallel_loop3A_222, %parallel_loop3A_231 : vector<16xi32>
        scf.yield %parallel_loop3A_232 : vector<16xi32>
      } {sc.loop_unroll_factor = 8 : i64, sc.parallel_access}
      %add3A_71 = arith.constant 48 : i32
      %add3A_72 = vector.broadcast %add3A_71 : i32 to vector<16xi32>
      %add3A_73 = arith.addi %iota3A, %add3A_72 : vector<16xi32>
      %broadcast_in_dim3A_74 = arith.constant 0 : i32
      %broadcast_in_dim3A_75 = vector.broadcast %broadcast_in_dim3A_74 : i32 to vector<16xi32>
      %parallel_loop3A_76 = arith.constant 0 : i32
      %parallel_loop3A_77 = arith.constant 64 : i32
      %parallel_loop3A_78 = arith.constant 1 : i32
      %parallel_loop3A_79 = scf.for %parallel_loop3A_221 = %parallel_loop3A_76 to %parallel_loop3A_77 step %parallel_loop3A_78 iter_args(%parallel_loop3A_222 = %broadcast_in_dim3A_75) -> (vector<16xi32>)  : i32 {
        %parallel_loop3A_223 = tpu.vector_load_idx %arg6[%add3A_73, %parallel_loop3A_222] : memref<128x128xf32, #tpu.memory_space<vmem>>[vector<16xi32>, vector<16xi32>], vector<16xf32>,
        %parallel_loop3A_224 = arith.constant 8.000000e+00 : f32
        %parallel_loop3A_225 = vector.broadcast %parallel_loop3A_224 : f32 to vector<16xf32>
        %parallel_loop3A_226 = arith.mulf %parallel_loop3A_223, %parallel_loop3A_225 : vector<16xf32>
        %parallel_loop3A_227 = arith.index_cast %parallel_loop3A_221 : i32 to index
        %parallel_loop3A_228 = arith.constant 48 : index
        %parallel_loop3A_229 = tpu.vector_load %arg8[%parallel_loop3A_227, %parallel_loop3A_228] {strides = array<i32>} : memref<64x128xf32, #tpu.memory_space<vmem>>, vector<16xf32>,
        tpu.vector_store %arg8[%parallel_loop3A_227, %parallel_loop3A_228], %parallel_loop3A_226 {strides = array<i32>} : memref<64x128xf32, #tpu.memory_space<vmem>>, vector<16xf32>,
        %parallel_loop3A_230 = arith.constant 1 : i32
        %parallel_loop3A_231 = vector.broadcast %parallel_loop3A_230 : i32 to vector<16xi32>
        %parallel_loop3A_232 = arith.addi %parallel_loop3A_222, %parallel_loop3A_231 : vector<16xi32>
        scf.yield %parallel_loop3A_232 : vector<16xi32>
      } {sc.loop_unroll_factor = 8 : i64, sc.parallel_access}
      %add3A_80 = arith.constant 64 : i32
      %add3A_81 = vector.broadcast %add3A_80 : i32 to vector<16xi32>
      %add3A_82 = arith.addi %iota3A, %add3A_81 : vector<16xi32>
      %broadcast_in_dim3A_83 = arith.constant 0 : i32
      %broadcast_in_dim3A_84 = vector.broadcast %broadcast_in_dim3A_83 : i32 to vector<16xi32>
      %parallel_loop3A_85 = arith.constant 0 : i32
      %parallel_loop3A_86 = arith.constant 64 : i32
      %parallel_loop3A_87 = arith.constant 1 : i32
      %parallel_loop3A_88 = scf.for %parallel_loop3A_221 = %parallel_loop3A_85 to %parallel_loop3A_86 step %parallel_loop3A_87 iter_args(%parallel_loop3A_222 = %broadcast_in_dim3A_84) -> (vector<16xi32>)  : i32 {
        %parallel_loop3A_223 = tpu.vector_load_idx %arg6[%add3A_82, %parallel_loop3A_222] : memref<128x128xf32, #tpu.memory_space<vmem>>[vector<16xi32>, vector<16xi32>], vector<16xf32>,
        %parallel_loop3A_224 = arith.constant 8.000000e+00 : f32
        %parallel_loop3A_225 = vector.broadcast %parallel_loop3A_224 : f32 to vector<16xf32>
        %parallel_loop3A_226 = arith.mulf %parallel_loop3A_223, %parallel_loop3A_225 : vector<16xf32>
        %parallel_loop3A_227 = arith.index_cast %parallel_loop3A_221 : i32 to index
        %parallel_loop3A_228 = arith.constant 64 : index
        %parallel_loop3A_229 = tpu.vector_load %arg8[%parallel_loop3A_227, %parallel_loop3A_228] {strides = array<i32>} : memref<64x128xf32, #tpu.memory_space<vmem>>, vector<16xf32>,
        tpu.vector_store %arg8[%parallel_loop3A_227, %parallel_loop3A_228], %parallel_loop3A_226 {strides = array<i32>} : memref<64x128xf32, #tpu.memory_space<vmem>>, vector<16xf32>,
        %parallel_loop3A_230 = arith.constant 1 : i32
        %parallel_loop3A_231 = vector.broadcast %parallel_loop3A_230 : i32 to vector<16xi32>
        %parallel_loop3A_232 = arith.addi %parallel_loop3A_222, %parallel_loop3A_231 : vector<16xi32>
        scf.yield %parallel_loop3A_232 : vector<16xi32>
      } {sc.loop_unroll_factor = 8 : i64, sc.parallel_access}
      %add3A_89 = arith.constant 80 : i32
      %add3A_90 = vector.broadcast %add3A_89 : i32 to vector<16xi32>
      %add3A_91 = arith.addi %iota3A, %add3A_90 : vector<16xi32>
      %broadcast_in_dim3A_92 = arith.constant 0 : i32
      %broadcast_in_dim3A_93 = vector.broadcast %broadcast_in_dim3A_92 : i32 to vector<16xi32>
      %parallel_loop3A_94 = arith.constant 0 : i32
      %parallel_loop3A_95 = arith.constant 64 : i32
      %parallel_loop3A_96 = arith.constant 1 : i32
      %parallel_loop3A_97 = scf.for %parallel_loop3A_221 = %parallel_loop3A_94 to %parallel_loop3A_95 step %parallel_loop3A_96 iter_args(%parallel_loop3A_222 = %broadcast_in_dim3A_93) -> (vector<16xi32>)  : i32 {
        %parallel_loop3A_223 = tpu.vector_load_idx %arg6[%add3A_91, %parallel_loop3A_222] : memref<128x128xf32, #tpu.memory_space<vmem>>[vector<16xi32>, vector<16xi32>], vector<16xf32>,
        %parallel_loop3A_224 = arith.constant 8.000000e+00 : f32
        %parallel_loop3A_225 = vector.broadcast %parallel_loop3A_224 : f32 to vector<16xf32>
        %parallel_loop3A_226 = arith.mulf %parallel_loop3A_223, %parallel_loop3A_225 : vector<16xf32>
        %parallel_loop3A_227 = arith.index_cast %parallel_loop3A_221 : i32 to index
        %parallel_loop3A_228 = arith.constant 80 : index
        %parallel_loop3A_229 = tpu.vector_load %arg8[%parallel_loop3A_227, %parallel_loop3A_228] {strides = array<i32>} : memref<64x128xf32, #tpu.memory_space<vmem>>, vector<16xf32>,
        tpu.vector_store %arg8[%parallel_loop3A_227, %parallel_loop3A_228], %parallel_loop3A_226 {strides = array<i32>} : memref<64x128xf32, #tpu.memory_space<vmem>>, vector<16xf32>,
        %parallel_loop3A_230 = arith.constant 1 : i32
        %parallel_loop3A_231 = vector.broadcast %parallel_loop3A_230 : i32 to vector<16xi32>
        %parallel_loop3A_232 = arith.addi %parallel_loop3A_222, %parallel_loop3A_231 : vector<16xi32>
        scf.yield %parallel_loop3A_232 : vector<16xi32>
      } {sc.loop_unroll_factor = 8 : i64, sc.parallel_access}
      %add3A_98 = arith.constant 96 : i32
      %add3A_99 = vector.broadcast %add3A_98 : i32 to vector<16xi32>
      %add3A_100 = arith.addi %iota3A, %add3A_99 : vector<16xi32>
      %broadcast_in_dim3A_101 = arith.constant 0 : i32
      %broadcast_in_dim3A_102 = vector.broadcast %broadcast_in_dim3A_101 : i32 to vector<16xi32>
      %parallel_loop3A_103 = arith.constant 0 : i32
      %parallel_loop3A_104 = arith.constant 64 : i32
      %parallel_loop3A_105 = arith.constant 1 : i32
      %parallel_loop3A_106 = scf.for %parallel_loop3A_221 = %parallel_loop3A_103 to %parallel_loop3A_104 step %parallel_loop3A_105 iter_args(%parallel_loop3A_222 = %broadcast_in_dim3A_102) -> (vector<16xi32>)  : i32 {
        %parallel_loop3A_223 = tpu.vector_load_idx %arg6[%add3A_100, %parallel_loop3A_222] : memref<128x128xf32, #tpu.memory_space<vmem>>[vector<16xi32>, vector<16xi32>], vector<16xf32>,
        %parallel_loop3A_224 = arith.constant 8.000000e+00 : f32
        %parallel_loop3A_225 = vector.broadcast %parallel_loop3A_224 : f32 to vector<16xf32>
        %parallel_loop3A_226 = arith.mulf %parallel_loop3A_223, %parallel_loop3A_225 : vector<16xf32>
        %parallel_loop3A_227 = arith.index_cast %parallel_loop3A_221 : i32 to index
        %parallel_loop3A_228 = arith.constant 96 : index
        %parallel_loop3A_229 = tpu.vector_load %arg8[%parallel_loop3A_227, %parallel_loop3A_228] {strides = array<i32>} : memref<64x128xf32, #tpu.memory_space<vmem>>, vector<16xf32>,
        tpu.vector_store %arg8[%parallel_loop3A_227, %parallel_loop3A_228], %parallel_loop3A_226 {strides = array<i32>} : memref<64x128xf32, #tpu.memory_space<vmem>>, vector<16xf32>,
        %parallel_loop3A_230 = arith.constant 1 : i32
        %parallel_loop3A_231 = vector.broadcast %parallel_loop3A_230 : i32 to vector<16xi32>
        %parallel_loop3A_232 = arith.addi %parallel_loop3A_222, %parallel_loop3A_231 : vector<16xi32>
        scf.yield %parallel_loop3A_232 : vector<16xi32>
      } {sc.loop_unroll_factor = 8 : i64, sc.parallel_access}
      %add3A_107 = arith.constant 112 : i32
      %add3A_108 = vector.broadcast %add3A_107 : i32 to vector<16xi32>
      %add3A_109 = arith.addi %iota3A, %add3A_108 : vector<16xi32>
      %broadcast_in_dim3A_110 = arith.constant 0 : i32
      %broadcast_in_dim3A_111 = vector.broadcast %broadcast_in_dim3A_110 : i32 to vector<16xi32>
      %parallel_loop3A_112 = arith.constant 0 : i32
      %parallel_loop3A_113 = arith.constant 64 : i32
      %parallel_loop3A_114 = arith.constant 1 : i32
      %parallel_loop3A_115 = scf.for %parallel_loop3A_221 = %parallel_loop3A_112 to %parallel_loop3A_113 step %parallel_loop3A_114 iter_args(%parallel_loop3A_222 = %broadcast_in_dim3A_111) -> (vector<16xi32>)  : i32 {
        %parallel_loop3A_223 = tpu.vector_load_idx %arg6[%add3A_109, %parallel_loop3A_222] : memref<128x128xf32, #tpu.memory_space<vmem>>[vector<16xi32>, vector<16xi32>], vector<16xf32>,
        %parallel_loop3A_224 = arith.constant 8.000000e+00 : f32
        %parallel_loop3A_225 = vector.broadcast %parallel_loop3A_224 : f32 to vector<16xf32>
        %parallel_loop3A_226 = arith.mulf %parallel_loop3A_223, %parallel_loop3A_225 : vector<16xf32>
        %parallel_loop3A_227 = arith.index_cast %parallel_loop3A_221 : i32 to index
        %parallel_loop3A_228 = arith.constant 112 : index
        %parallel_loop3A_229 = tpu.vector_load %arg8[%parallel_loop3A_227, %parallel_loop3A_228] {strides = array<i32>} : memref<64x128xf32, #tpu.memory_space<vmem>>, vector<16xf32>,
        tpu.vector_store %arg8[%parallel_loop3A_227, %parallel_loop3A_228], %parallel_loop3A_226 {strides = array<i32>} : memref<64x128xf32, #tpu.memory_space<vmem>>, vector<16xf32>,
        %parallel_loop3A_230 = arith.constant 1 : i32
        %parallel_loop3A_231 = vector.broadcast %parallel_loop3A_230 : i32 to vector<16xi32>
        %parallel_loop3A_232 = arith.addi %parallel_loop3A_222, %parallel_loop3A_231 : vector<16xi32>
        scf.yield %parallel_loop3A_232 : vector<16xi32>
      } {sc.loop_unroll_factor = 8 : i64, sc.parallel_access}
      %dma_start3A_116 = arith.constant 0 : i32
      %dma_start3A_117 = tpu.memref_slice %arg4[%mul3A_29, %dma_start3A_116, %mul3A_2] : memref<200x64x4096xf32, #tpu.memory_space<hbm>> -> memref<1x64x128xf32, #tpu.memory_space<hbm>>
      %dma_start3A_118 = tpu.memref_squeeze %dma_start3A_117 : memref<1x64x128xf32, #tpu.memory_space<hbm>> -> memref<64x128xf32, #tpu.memory_space<hbm>>
      %dma_start3A_119 = arith.constant 0 : i32
      %dma_start3A_120 = tpu.memref_slice %arg4[%mul3A_29, %dma_start3A_119, %mul3A_2] : memref<200x64x4096xf32, #tpu.memory_space<hbm>> -> memref<1x64x128xf32, #tpu.memory_space<hbm>>
      %dma_start3A_121 = tpu.memref_squeeze %dma_start3A_120 : memref<1x64x128xf32, #tpu.memory_space<hbm>> -> memref<64x128xf32, #tpu.memory_space<hbm>>
      tpu.enqueue_dma source(%arg8 : memref<64x128xf32, #tpu.memory_space<vmem>>) target(%dma_start3A_121 : memref<64x128xf32, #tpu.memory_space<hbm>>) target_semaphore(%arg12 : memref<!tpu.dma_semaphore, #tpu.memory_space<semaphore_mem>>)
      %add3A_122 = arith.constant 2 : i32
      %add3A_123 = arith.addi %mul3A_29, %add3A_122 : i32
      %lt3A = arith.constant 200 : i32
      %lt3A_124 = arith.cmpi slt, %add3A_123, %lt3A : i32
      %convert_element_type3A_125 = arith.extui %lt3A_124 : i1 to i32
      %cond3A_126 = arith.constant 0 : i32
      %cond3A_127 = arith.cmpi ne, %convert_element_type3A_125, %cond3A_126 : i32
      scf.if %cond3A_127 {
        %add3A_221 = arith.constant 2 : i32
        %add3A_222 = arith.addi %mul3A_29, %add3A_221 : i32
        %dma_start3A_223 = arith.constant 0 : i32
        %dma_start3A_224 = tpu.memref_slice %arg5[%add3A_222, %dma_start3A_223] : memref<200x128xi32, #tpu.memory_space<vmem>> -> memref<1x128xi32, #tpu.memory_space<vmem>>
        %dma_start3A_225 = tpu.memref_squeeze %dma_start3A_224 : memref<1x128xi32, #tpu.memory_space<vmem>> -> memref<128xi32, #tpu.memory_space<vmem>>
        %dma_start3A_226 = arith.constant 0 : i32
        %dma_start3A_227 = arith.constant 0 : i32
        %dma_start3A_228 = tpu.memref_slice %arg3[%dma_start3A_226, %dma_start3A_227] : memref<1000000x128xf32, #tpu.memory_space<hbm>> -> memref<1000000x128xf32, #tpu.memory_space<hbm>>
        tpu.enqueue_indirect_dma source(%dma_start3A_228 : memref<1000000x128xf32, #tpu.memory_space<hbm>>) target(%arg6 : memref<128x128xf32, #tpu.memory_space<vmem>>) offsets(%dma_start3A_225 : memref<128xi32, #tpu.memory_space<vmem>>) semaphore(%arg10 : memref<!tpu.dma_semaphore, #tpu.memory_space<semaphore_mem>>)
      } else {
      }
      %add3A_128 = arith.constant 1 : i32
      %add3A_129 = arith.addi %mul3A_29, %add3A_128 : i32
      %dma_wait3A_130 = arith.constant 0 : i32
      %dma_wait3A_131 = tpu.memref_slice %arg5[%add3A_129, %dma_wait3A_130] : memref<200x128xi32, #tpu.memory_space<vmem>> -> memref<1x128xi32, #tpu.memory_space<vmem>>
      %dma_wait3A_132 = tpu.memref_squeeze %dma_wait3A_131 : memref<1x128xi32, #tpu.memory_space<vmem>> -> memref<128xi32, #tpu.memory_space<vmem>>
      %dma_wait3A_133 = arith.constant 0 : i32
      %dma_wait3A_134 = arith.constant 0 : i32
      %dma_wait3A_135 = tpu.memref_slice %arg3[%dma_wait3A_133, %dma_wait3A_134] : memref<1000000x128xf32, #tpu.memory_space<hbm>> -> memref<1000000x128xf32, #tpu.memory_space<hbm>>
      tpu.wait_indirect_dma semaphore(%arg11 : memref<!tpu.dma_semaphore, #tpu.memory_space<semaphore_mem>>) src(%dma_wait3A_135 : memref<1000000x128xf32, #tpu.memory_space<hbm>>) dst(%arg7 : memref<128x128xf32, #tpu.memory_space<vmem>>)
      %ge3A_136 = arith.constant 2 : i32
      %ge3A_137 = arith.cmpi sge, %mul3A_29, %ge3A_136 : i32
      %convert_element_type3A_138 = arith.extui %ge3A_137 : i1 to i32
      %cond3A_139 = arith.constant 0 : i32
      %cond3A_140 = arith.cmpi ne, %convert_element_type3A_138, %cond3A_139 : i32
      scf.if %cond3A_140 {
        %sub3A = arith.constant 1 : i32
        %sub3A_221 = arith.subi %mul3A_29, %sub3A : i32
        %dma_wait3A_222 = arith.constant 0 : i32
        %dma_wait3A_223 = tpu.memref_slice %arg4[%sub3A_221, %dma_wait3A_222, %mul3A_2] : memref<200x64x4096xf32, #tpu.memory_space<hbm>> -> memref<1x64x128xf32, #tpu.memory_space<hbm>>
        %dma_wait3A_224 = tpu.memref_squeeze %dma_wait3A_223 : memref<1x64x128xf32, #tpu.memory_space<hbm>> -> memref<64x128xf32, #tpu.memory_space<hbm>>
        %dma_wait3A_225 = arith.constant 0 : i32
        %dma_wait3A_226 = tpu.memref_slice %arg4[%sub3A_221, %dma_wait3A_225, %mul3A_2] : memref<200x64x4096xf32, #tpu.memory_space<hbm>> -> memref<1x64x128xf32, #tpu.memory_space<hbm>>
        %dma_wait3A_227 = tpu.memref_squeeze %dma_wait3A_226 : memref<1x64x128xf32, #tpu.memory_space<hbm>> -> memref<64x128xf32, #tpu.memory_space<hbm>>
        tpu.wait_dma2 semaphore(%arg13 : memref<!tpu.dma_semaphore, #tpu.memory_space<semaphore_mem>>) src(%arg9 : memref<64x128xf32, #tpu.memory_space<vmem>>) dst(%dma_wait3A_227 : memref<64x128xf32, #tpu.memory_space<hbm>>)
      } else {
      }
      %add3A_141 = arith.constant 1 : i32
      %add3A_142 = arith.addi %mul3A_29, %add3A_141 : i32
      %add3A_143 = arith.constant 0 : i32
      %add3A_144 = vector.broadcast %add3A_143 : i32 to vector<16xi32>
      %add3A_145 = arith.addi %iota3A, %add3A_144 : vector<16xi32>
      %broadcast_in_dim3A_146 = arith.constant 0 : i32
      %broadcast_in_dim3A_147 = vector.broadcast %broadcast_in_dim3A_146 : i32 to vector<16xi32>
      %parallel_loop3A_148 = arith.constant 0 : i32
      %parallel_loop3A_149 = arith.constant 64 : i32
      %parallel_loop3A_150 = arith.constant 1 : i32
      %parallel_loop3A_151 = scf.for %parallel_loop3A_221 = %parallel_loop3A_148 to %parallel_loop3A_149 step %parallel_loop3A_150 iter_args(%parallel_loop3A_222 = %broadcast_in_dim3A_147) -> (vector<16xi32>)  : i32 {
        %parallel_loop3A_223 = tpu.vector_load_idx %arg7[%add3A_145, %parallel_loop3A_222] : memref<128x128xf32, #tpu.memory_space<vmem>>[vector<16xi32>, vector<16xi32>], vector<16xf32>,
        %parallel_loop3A_224 = arith.constant 8.000000e+00 : f32
        %parallel_loop3A_225 = vector.broadcast %parallel_loop3A_224 : f32 to vector<16xf32>
        %parallel_loop3A_226 = arith.mulf %parallel_loop3A_223, %parallel_loop3A_225 : vector<16xf32>
        %parallel_loop3A_227 = arith.index_cast %parallel_loop3A_221 : i32 to index
        %parallel_loop3A_228 = arith.constant 0 : index
        %parallel_loop3A_229 = tpu.vector_load %arg9[%parallel_loop3A_227, %parallel_loop3A_228] {strides = array<i32>} : memref<64x128xf32, #tpu.memory_space<vmem>>, vector<16xf32>,
        tpu.vector_store %arg9[%parallel_loop3A_227, %parallel_loop3A_228], %parallel_loop3A_226 {strides = array<i32>} : memref<64x128xf32, #tpu.memory_space<vmem>>, vector<16xf32>,
        %parallel_loop3A_230 = arith.constant 1 : i32
        %parallel_loop3A_231 = vector.broadcast %parallel_loop3A_230 : i32 to vector<16xi32>
        %parallel_loop3A_232 = arith.addi %parallel_loop3A_222, %parallel_loop3A_231 : vector<16xi32>
        scf.yield %parallel_loop3A_232 : vector<16xi32>
      } {sc.loop_unroll_factor = 8 : i64, sc.parallel_access}
      %add3A_152 = arith.constant 16 : i32
      %add3A_153 = vector.broadcast %add3A_152 : i32 to vector<16xi32>
      %add3A_154 = arith.addi %iota3A, %add3A_153 : vector<16xi32>
      %broadcast_in_dim3A_155 = arith.constant 0 : i32
      %broadcast_in_dim3A_156 = vector.broadcast %broadcast_in_dim3A_155 : i32 to vector<16xi32>
      %parallel_loop3A_157 = arith.constant 0 : i32
      %parallel_loop3A_158 = arith.constant 64 : i32
      %parallel_loop3A_159 = arith.constant 1 : i32
      %parallel_loop3A_160 = scf.for %parallel_loop3A_221 = %parallel_loop3A_157 to %parallel_loop3A_158 step %parallel_loop3A_159 iter_args(%parallel_loop3A_222 = %broadcast_in_dim3A_156) -> (vector<16xi32>)  : i32 {
        %parallel_loop3A_223 = tpu.vector_load_idx %arg7[%add3A_154, %parallel_loop3A_222] : memref<128x128xf32, #tpu.memory_space<vmem>>[vector<16xi32>, vector<16xi32>], vector<16xf32>,
        %parallel_loop3A_224 = arith.constant 8.000000e+00 : f32
        %parallel_loop3A_225 = vector.broadcast %parallel_loop3A_224 : f32 to vector<16xf32>
        %parallel_loop3A_226 = arith.mulf %parallel_loop3A_223, %parallel_loop3A_225 : vector<16xf32>
        %parallel_loop3A_227 = arith.index_cast %parallel_loop3A_221 : i32 to index
        %parallel_loop3A_228 = arith.constant 16 : index
        %parallel_loop3A_229 = tpu.vector_load %arg9[%parallel_loop3A_227, %parallel_loop3A_228] {strides = array<i32>} : memref<64x128xf32, #tpu.memory_space<vmem>>, vector<16xf32>,
        tpu.vector_store %arg9[%parallel_loop3A_227, %parallel_loop3A_228], %parallel_loop3A_226 {strides = array<i32>} : memref<64x128xf32, #tpu.memory_space<vmem>>, vector<16xf32>,
        %parallel_loop3A_230 = arith.constant 1 : i32
        %parallel_loop3A_231 = vector.broadcast %parallel_loop3A_230 : i32 to vector<16xi32>
        %parallel_loop3A_232 = arith.addi %parallel_loop3A_222, %parallel_loop3A_231 : vector<16xi32>
        scf.yield %parallel_loop3A_232 : vector<16xi32>
      } {sc.loop_unroll_factor = 8 : i64, sc.parallel_access}
      %add3A_161 = arith.constant 32 : i32
      %add3A_162 = vector.broadcast %add3A_161 : i32 to vector<16xi32>
      %add3A_163 = arith.addi %iota3A, %add3A_162 : vector<16xi32>
      %broadcast_in_dim3A_164 = arith.constant 0 : i32
      %broadcast_in_dim3A_165 = vector.broadcast %broadcast_in_dim3A_164 : i32 to vector<16xi32>
      %parallel_loop3A_166 = arith.constant 0 : i32
      %parallel_loop3A_167 = arith.constant 64 : i32
      %parallel_loop3A_168 = arith.constant 1 : i32
      %parallel_loop3A_169 = scf.for %parallel_loop3A_221 = %parallel_loop3A_166 to %parallel_loop3A_167 step %parallel_loop3A_168 iter_args(%parallel_loop3A_222 = %broadcast_in_dim3A_165) -> (vector<16xi32>)  : i32 {
        %parallel_loop3A_223 = tpu.vector_load_idx %arg7[%add3A_163, %parallel_loop3A_222] : memref<128x128xf32, #tpu.memory_space<vmem>>[vector<16xi32>, vector<16xi32>], vector<16xf32>,
        %parallel_loop3A_224 = arith.constant 8.000000e+00 : f32
        %parallel_loop3A_225 = vector.broadcast %parallel_loop3A_224 : f32 to vector<16xf32>
        %parallel_loop3A_226 = arith.mulf %parallel_loop3A_223, %parallel_loop3A_225 : vector<16xf32>
        %parallel_loop3A_227 = arith.index_cast %parallel_loop3A_221 : i32 to index
        %parallel_loop3A_228 = arith.constant 32 : index
        %parallel_loop3A_229 = tpu.vector_load %arg9[%parallel_loop3A_227, %parallel_loop3A_228] {strides = array<i32>} : memref<64x128xf32, #tpu.memory_space<vmem>>, vector<16xf32>,
        tpu.vector_store %arg9[%parallel_loop3A_227, %parallel_loop3A_228], %parallel_loop3A_226 {strides = array<i32>} : memref<64x128xf32, #tpu.memory_space<vmem>>, vector<16xf32>,
        %parallel_loop3A_230 = arith.constant 1 : i32
        %parallel_loop3A_231 = vector.broadcast %parallel_loop3A_230 : i32 to vector<16xi32>
        %parallel_loop3A_232 = arith.addi %parallel_loop3A_222, %parallel_loop3A_231 : vector<16xi32>
        scf.yield %parallel_loop3A_232 : vector<16xi32>
      } {sc.loop_unroll_factor = 8 : i64, sc.parallel_access}
      %add3A_170 = arith.constant 48 : i32
      %add3A_171 = vector.broadcast %add3A_170 : i32 to vector<16xi32>
      %add3A_172 = arith.addi %iota3A, %add3A_171 : vector<16xi32>
      %broadcast_in_dim3A_173 = arith.constant 0 : i32
      %broadcast_in_dim3A_174 = vector.broadcast %broadcast_in_dim3A_173 : i32 to vector<16xi32>
      %parallel_loop3A_175 = arith.constant 0 : i32
      %parallel_loop3A_176 = arith.constant 64 : i32
      %parallel_loop3A_177 = arith.constant 1 : i32
      %parallel_loop3A_178 = scf.for %parallel_loop3A_221 = %parallel_loop3A_175 to %parallel_loop3A_176 step %parallel_loop3A_177 iter_args(%parallel_loop3A_222 = %broadcast_in_dim3A_174) -> (vector<16xi32>)  : i32 {
        %parallel_loop3A_223 = tpu.vector_load_idx %arg7[%add3A_172, %parallel_loop3A_222] : memref<128x128xf32, #tpu.memory_space<vmem>>[vector<16xi32>, vector<16xi32>], vector<16xf32>,
        %parallel_loop3A_224 = arith.constant 8.000000e+00 : f32
        %parallel_loop3A_225 = vector.broadcast %parallel_loop3A_224 : f32 to vector<16xf32>
        %parallel_loop3A_226 = arith.mulf %parallel_loop3A_223, %parallel_loop3A_225 : vector<16xf32>
        %parallel_loop3A_227 = arith.index_cast %parallel_loop3A_221 : i32 to index
        %parallel_loop3A_228 = arith.constant 48 : index
        %parallel_loop3A_229 = tpu.vector_load %arg9[%parallel_loop3A_227, %parallel_loop3A_228] {strides = array<i32>} : memref<64x128xf32, #tpu.memory_space<vmem>>, vector<16xf32>,
        tpu.vector_store %arg9[%parallel_loop3A_227, %parallel_loop3A_228], %parallel_loop3A_226 {strides = array<i32>} : memref<64x128xf32, #tpu.memory_space<vmem>>, vector<16xf32>,
        %parallel_loop3A_230 = arith.constant 1 : i32
        %parallel_loop3A_231 = vector.broadcast %parallel_loop3A_230 : i32 to vector<16xi32>
        %parallel_loop3A_232 = arith.addi %parallel_loop3A_222, %parallel_loop3A_231 : vector<16xi32>
        scf.yield %parallel_loop3A_232 : vector<16xi32>
      } {sc.loop_unroll_factor = 8 : i64, sc.parallel_access}
      %add3A_179 = arith.constant 64 : i32
      %add3A_180 = vector.broadcast %add3A_179 : i32 to vector<16xi32>
      %add3A_181 = arith.addi %iota3A, %add3A_180 : vector<16xi32>
      %broadcast_in_dim3A_182 = arith.constant 0 : i32
      %broadcast_in_dim3A_183 = vector.broadcast %broadcast_in_dim3A_182 : i32 to vector<16xi32>
      %parallel_loop3A_184 = arith.constant 0 : i32
      %parallel_loop3A_185 = arith.constant 64 : i32
      %parallel_loop3A_186 = arith.constant 1 : i32
      %parallel_loop3A_187 = scf.for %parallel_loop3A_221 = %parallel_loop3A_184 to %parallel_loop3A_185 step %parallel_loop3A_186 iter_args(%parallel_loop3A_222 = %broadcast_in_dim3A_183) -> (vector<16xi32>)  : i32 {
        %parallel_loop3A_223 = tpu.vector_load_idx %arg7[%add3A_181, %parallel_loop3A_222] : memref<128x128xf32, #tpu.memory_space<vmem>>[vector<16xi32>, vector<16xi32>], vector<16xf32>,
        %parallel_loop3A_224 = arith.constant 8.000000e+00 : f32
        %parallel_loop3A_225 = vector.broadcast %parallel_loop3A_224 : f32 to vector<16xf32>
        %parallel_loop3A_226 = arith.mulf %parallel_loop3A_223, %parallel_loop3A_225 : vector<16xf32>
        %parallel_loop3A_227 = arith.index_cast %parallel_loop3A_221 : i32 to index
        %parallel_loop3A_228 = arith.constant 64 : index
        %parallel_loop3A_229 = tpu.vector_load %arg9[%parallel_loop3A_227, %parallel_loop3A_228] {strides = array<i32>} : memref<64x128xf32, #tpu.memory_space<vmem>>, vector<16xf32>,
        tpu.vector_store %arg9[%parallel_loop3A_227, %parallel_loop3A_228], %parallel_loop3A_226 {strides = array<i32>} : memref<64x128xf32, #tpu.memory_space<vmem>>, vector<16xf32>,
        %parallel_loop3A_230 = arith.constant 1 : i32
        %parallel_loop3A_231 = vector.broadcast %parallel_loop3A_230 : i32 to vector<16xi32>
        %parallel_loop3A_232 = arith.addi %parallel_loop3A_222, %parallel_loop3A_231 : vector<16xi32>
        scf.yield %parallel_loop3A_232 : vector<16xi32>
      } {sc.loop_unroll_factor = 8 : i64, sc.parallel_access}
      %add3A_188 = arith.constant 80 : i32
      %add3A_189 = vector.broadcast %add3A_188 : i32 to vector<16xi32>
      %add3A_190 = arith.addi %iota3A, %add3A_189 : vector<16xi32>
      %broadcast_in_dim3A_191 = arith.constant 0 : i32
      %broadcast_in_dim3A_192 = vector.broadcast %broadcast_in_dim3A_191 : i32 to vector<16xi32>
      %parallel_loop3A_193 = arith.constant 0 : i32
      %parallel_loop3A_194 = arith.constant 64 : i32
      %parallel_loop3A_195 = arith.constant 1 : i32
      %parallel_loop3A_196 = scf.for %parallel_loop3A_221 = %parallel_loop3A_193 to %parallel_loop3A_194 step %parallel_loop3A_195 iter_args(%parallel_loop3A_222 = %broadcast_in_dim3A_192) -> (vector<16xi32>)  : i32 {
        %parallel_loop3A_223 = tpu.vector_load_idx %arg7[%add3A_190, %parallel_loop3A_222] : memref<128x128xf32, #tpu.memory_space<vmem>>[vector<16xi32>, vector<16xi32>], vector<16xf32>,
        %parallel_loop3A_224 = arith.constant 8.000000e+00 : f32
        %parallel_loop3A_225 = vector.broadcast %parallel_loop3A_224 : f32 to vector<16xf32>
        %parallel_loop3A_226 = arith.mulf %parallel_loop3A_223, %parallel_loop3A_225 : vector<16xf32>
        %parallel_loop3A_227 = arith.index_cast %parallel_loop3A_221 : i32 to index
        %parallel_loop3A_228 = arith.constant 80 : index
        %parallel_loop3A_229 = tpu.vector_load %arg9[%parallel_loop3A_227, %parallel_loop3A_228] {strides = array<i32>} : memref<64x128xf32, #tpu.memory_space<vmem>>, vector<16xf32>,
        tpu.vector_store %arg9[%parallel_loop3A_227, %parallel_loop3A_228], %parallel_loop3A_226 {strides = array<i32>} : memref<64x128xf32, #tpu.memory_space<vmem>>, vector<16xf32>,
        %parallel_loop3A_230 = arith.constant 1 : i32
        %parallel_loop3A_231 = vector.broadcast %parallel_loop3A_230 : i32 to vector<16xi32>
        %parallel_loop3A_232 = arith.addi %parallel_loop3A_222, %parallel_loop3A_231 : vector<16xi32>
        scf.yield %parallel_loop3A_232 : vector<16xi32>
      } {sc.loop_unroll_factor = 8 : i64, sc.parallel_access}
      %add3A_197 = arith.constant 96 : i32
      %add3A_198 = vector.broadcast %add3A_197 : i32 to vector<16xi32>
      %add3A_199 = arith.addi %iota3A, %add3A_198 : vector<16xi32>
      %broadcast_in_dim3A_200 = arith.constant 0 : i32
      %broadcast_in_dim3A_201 = vector.broadcast %broadcast_in_dim3A_200 : i32 to vector<16xi32>
      %parallel_loop3A_202 = arith.constant 0 : i32
      %parallel_loop3A_203 = arith.constant 64 : i32
      %parallel_loop3A_204 = arith.constant 1 : i32
      %parallel_loop3A_205 = scf.for %parallel_loop3A_221 = %parallel_loop3A_202 to %parallel_loop3A_203 step %parallel_loop3A_204 iter_args(%parallel_loop3A_222 = %broadcast_in_dim3A_201) -> (vector<16xi32>)  : i32 {
        %parallel_loop3A_223 = tpu.vector_load_idx %arg7[%add3A_199, %parallel_loop3A_222] : memref<128x128xf32, #tpu.memory_space<vmem>>[vector<16xi32>, vector<16xi32>], vector<16xf32>,
        %parallel_loop3A_224 = arith.constant 8.000000e+00 : f32
        %parallel_loop3A_225 = vector.broadcast %parallel_loop3A_224 : f32 to vector<16xf32>
        %parallel_loop3A_226 = arith.mulf %parallel_loop3A_223, %parallel_loop3A_225 : vector<16xf32>
        %parallel_loop3A_227 = arith.index_cast %parallel_loop3A_221 : i32 to index
        %parallel_loop3A_228 = arith.constant 96 : index
        %parallel_loop3A_229 = tpu.vector_load %arg9[%parallel_loop3A_227, %parallel_loop3A_228] {strides = array<i32>} : memref<64x128xf32, #tpu.memory_space<vmem>>, vector<16xf32>,
        tpu.vector_store %arg9[%parallel_loop3A_227, %parallel_loop3A_228], %parallel_loop3A_226 {strides = array<i32>} : memref<64x128xf32, #tpu.memory_space<vmem>>, vector<16xf32>,
        %parallel_loop3A_230 = arith.constant 1 : i32
        %parallel_loop3A_231 = vector.broadcast %parallel_loop3A_230 : i32 to vector<16xi32>
        %parallel_loop3A_232 = arith.addi %parallel_loop3A_222, %parallel_loop3A_231 : vector<16xi32>
        scf.yield %parallel_loop3A_232 : vector<16xi32>
      } {sc.loop_unroll_factor = 8 : i64, sc.parallel_access}
      %add3A_206 = arith.constant 112 : i32
      %add3A_207 = vector.broadcast %add3A_206 : i32 to vector<16xi32>
      %add3A_208 = arith.addi %iota3A, %add3A_207 : vector<16xi32>
      %broadcast_in_dim3A_209 = arith.constant 0 : i32
      %broadcast_in_dim3A_210 = vector.broadcast %broadcast_in_dim3A_209 : i32 to vector<16xi32>
      %parallel_loop3A_211 = arith.constant 0 : i32
      %parallel_loop3A_212 = arith.constant 64 : i32
      %parallel_loop3A_213 = arith.constant 1 : i32
      %parallel_loop3A_214 = scf.for %parallel_loop3A_221 = %parallel_loop3A_211 to %parallel_loop3A_212 step %parallel_loop3A_213 iter_args(%parallel_loop3A_222 = %broadcast_in_dim3A_210) -> (vector<16xi32>)  : i32 {
        %parallel_loop3A_223 = tpu.vector_load_idx %arg7[%add3A_208, %parallel_loop3A_222] : memref<128x128xf32, #tpu.memory_space<vmem>>[vector<16xi32>, vector<16xi32>], vector<16xf32>,
        %parallel_loop3A_224 = arith.constant 8.000000e+00 : f32
        %parallel_loop3A_225 = vector.broadcast %parallel_loop3A_224 : f32 to vector<16xf32>
        %parallel_loop3A_226 = arith.mulf %parallel_loop3A_223, %parallel_loop3A_225 : vector<16xf32>
        %parallel_loop3A_227 = arith.index_cast %parallel_loop3A_221 : i32 to index
        %parallel_loop3A_228 = arith.constant 112 : index
        %parallel_loop3A_229 = tpu.vector_load %arg9[%parallel_loop3A_227, %parallel_loop3A_228] {strides = array<i32>} : memref<64x128xf32, #tpu.memory_space<vmem>>, vector<16xf32>,
        tpu.vector_store %arg9[%parallel_loop3A_227, %parallel_loop3A_228], %parallel_loop3A_226 {strides = array<i32>} : memref<64x128xf32, #tpu.memory_space<vmem>>, vector<16xf32>,
        %parallel_loop3A_230 = arith.constant 1 : i32
        %parallel_loop3A_231 = vector.broadcast %parallel_loop3A_230 : i32 to vector<16xi32>
        %parallel_loop3A_232 = arith.addi %parallel_loop3A_222, %parallel_loop3A_231 : vector<16xi32>
        scf.yield %parallel_loop3A_232 : vector<16xi32>
      } {sc.loop_unroll_factor = 8 : i64, sc.parallel_access}
      %dma_start3A_215 = arith.constant 0 : i32
      %dma_start3A_216 = tpu.memref_slice %arg4[%add3A_142, %dma_start3A_215, %mul3A_2] : memref<200x64x4096xf32, #tpu.memory_space<hbm>> -> memref<1x64x128xf32, #tpu.memory_space<hbm>>
      %dma_start3A_217 = tpu.memref_squeeze %dma_start3A_216 : memref<1x64x128xf32, #tpu.memory_space<hbm>> -> memref<64x128xf32, #tpu.memory_space<hbm>>
      %dma_start3A_218 = arith.constant 0 : i32
      %dma_start3A_219 = tpu.memref_slice %arg4[%add3A_142, %dma_start3A_218, %mul3A_2] : memref<200x64x4096xf32, #tpu.memory_space<hbm>> -> memref<1x64x128xf32, #tpu.memory_space<hbm>>
      %dma_start3A_220 = tpu.memref_squeeze %dma_start3A_219 : memref<1x64x128xf32, #tpu.memory_space<hbm>> -> memref<64x128xf32, #tpu.memory_space<hbm>>
      tpu.enqueue_dma source(%arg9 : memref<64x128xf32, #tpu.memory_space<vmem>>) target(%dma_start3A_220 : memref<64x128xf32, #tpu.memory_space<hbm>>) target_semaphore(%arg13 : memref<!tpu.dma_semaphore, #tpu.memory_space<semaphore_mem>>)
    }
    %scan3A_13 = arith.constant 100 : i32
    %dma_wait3A = arith.constant 198 : i32
    %dma_wait3A_14 = arith.constant 0 : i32
    %dma_wait3A_15 = tpu.memref_slice %arg4[%dma_wait3A, %dma_wait3A_14, %mul3A_2] : memref<200x64x4096xf32, #tpu.memory_space<hbm>> -> memref<1x64x128xf32, #tpu.memory_space<hbm>>
    %dma_wait3A_16 = tpu.memref_squeeze %dma_wait3A_15 : memref<1x64x128xf32, #tpu.memory_space<hbm>> -> memref<64x128xf32, #tpu.memory_space<hbm>>
    %dma_wait3A_17 = arith.constant 0 : i32
    %dma_wait3A_18 = tpu.memref_slice %arg4[%dma_wait3A, %dma_wait3A_17, %mul3A_2] : memref<200x64x4096xf32, #tpu.memory_space<hbm>> -> memref<1x64x128xf32, #tpu.memory_space<hbm>>
    %dma_wait3A_19 = tpu.memref_squeeze %dma_wait3A_18 : memref<1x64x128xf32, #tpu.memory_space<hbm>> -> memref<64x128xf32, #tpu.memory_space<hbm>>
    tpu.wait_dma2 semaphore(%arg12 : memref<!tpu.dma_semaphore, #tpu.memory_space<semaphore_mem>>) src(%arg8 : memref<64x128xf32, #tpu.memory_space<vmem>>) dst(%dma_wait3A_19 : memref<64x128xf32, #tpu.memory_space<hbm>>)
    %dma_wait3A_20 = arith.constant 199 : i32
    %dma_wait3A_21 = arith.constant 0 : i32
    %dma_wait3A_22 = tpu.memref_slice %arg4[%dma_wait3A_20, %dma_wait3A_21, %mul3A_2] : memref<200x64x4096xf32, #tpu.memory_space<hbm>> -> memref<1x64x128xf32, #tpu.memory_space<hbm>>
    %dma_wait3A_23 = tpu.memref_squeeze %dma_wait3A_22 : memref<1x64x128xf32, #tpu.memory_space<hbm>> -> memref<64x128xf32, #tpu.memory_space<hbm>>
    %dma_wait3A_24 = arith.constant 0 : i32
    %dma_wait3A_25 = tpu.memref_slice %arg4[%dma_wait3A_20, %dma_wait3A_24, %mul3A_2] : memref<200x64x4096xf32, #tpu.memory_space<hbm>> -> memref<1x64x128xf32, #tpu.memory_space<hbm>>
    %dma_wait3A_26 = tpu.memref_squeeze %dma_wait3A_25 : memref<1x64x128xf32, #tpu.memory_space<hbm>> -> memref<64x128xf32, #tpu.memory_space<hbm>>
    tpu.wait_dma2 semaphore(%arg13 : memref<!tpu.dma_semaphore, #tpu.memory_space<semaphore_mem>>) src(%arg9 : memref<64x128xf32, #tpu.memory_space<vmem>>) dst(%dma_wait3A_26 : memref<64x128xf32, #tpu.memory_space<hbm>>)
    return
  }
}

</mosaic_0001>

<sc_bundles>
// kernel: _embed.3.cloned.1.call-start
scs
__scs_entry_jumppad:
0x0: {  	(pc) =	sbr.rel $0x88, $3  }
0x1: {  	(tag) =	ssettag $0x0;
	lr =	simm.s32 $0x1  }
0x2: {  	[smem:$0x3F9F] =	sst lr;
	_ =	strace $0xD0000000  }
0x3: {  	_ = 	snop  }
0x4: {  	_ = 	snop  }
0x5: {  	_ = 	snop  }
0x6: {  	_ = 	snop  }
0x7: {  	_ = 	snop  }
__scs_overlays_trampoline_lowered:
0x8: {  	[smem:$0x3FAE] =	sst s0  }
0x9: {  	[smem:$0x3FAF] =	sst s1  }
0xa: {  	[smem:$0x3FB0] =	sst s2  }
0xb: {  	[smem:$0x3FB1] =	sst s3  }
0xc: {  	[smem:$0x3FB2] =	sst s4  }
0xd: {  	[smem:$0x3FB3] =	sst s5  }
0xe: {  	[smem:$0x3FB4] =	sst s6  }
0xf: {  	[smem:$0x3FB5] =	sst s7  }
0x10: {  	[smem:$0x3FB6] =	sst s8  }
0x11: {  	[smem:$0x3FB7] =	sst s9;
	s0 =	simm.s32 @!p0 $0x0  }
0x12: {  	s1 =	sld [smem:$0x3F9D];
	s0 =	simm.s32 @p0 $0x1  }
0x13: {  	[smem:$0x3FB8] =	sst s0;
	s0 =	simm.s32 @!p1 $0x0  }
0x14: {  	s2 =	sld [smem:$0x3F9C];
	s0 =	simm.s32 @p1 $0x1  }
0x15: {  	[smem:$0x3FB9] =	sst s0;
	s0 =	simm.s32 @!p2 $0x0  }
0x16: {  	s3 =	sld [smem:$0x3FDB];
	s0 =	simm.s32 @p2 $0x1  }
0x17: {  	s4 =	simm.s32 $0x1BF5;
	[smem:$0x3FBB] =	sst s0  }
0x18: {  	s0 =	sld [smem:$0x3F9E];
	_ =	swait.ge [sflag:s4], $0x0  }
0x19: {  	s7 =	sld [smem:$0x3F9F]  }
0x1a: {  	s8 =	sadd.s32 $0xFFFFE003, lr  }
0x1b: {  	s9 =	sadd.s32 $0xFFFFFEF7, lr;
	s5 =	simm.s32 $0xFFFFFFFF;
	p2 =	slt.u32 s8, $0xFFFFF086  }
0x1c: {  	p1 =	slt.u32 s9, $0xF7A;
	s5 =	simm.s32 @!p2 $0x0  }
0x1d: {  	s5 =	simm.s32 @p1 $0x1;
	p0 =	seq.s32 s7, s2  }
0x1e: {  	s7 =	smul.u32 @!p0 $0xF7A, s2;
	p2 =	seq.s32 @!p0 s5, $0x0  }
0x1f: {  	s9 =	smul.u32 $0xF7A, s1;
	s8 =	simm.s32 @!p0 $0x1BF5;
	p2 =	por !p2, p0  }
0x20: {  	[sflag:s8] =	ssyncset.s32 @!p0 $0xFFFFF086;
	s6 =	sadd.s32 @!p0 s3, s7;
	s7 =	simm.s32 @!p0 $0x108  }
0x21: {  	s3 =	sadd.s32 s3, s9;
	s6 =	sadd.s32 @!p0 $0x88, s6;
	s7 =	simm.s32 @p2 $0x1082  }
0x22: {  	[simem:s7], [sflag:s8] =	dma.local @!p0 [hbm:s6], $0xF7A  }
0x23: {  	s9 =	sor.u32 $0xD0000000, s2;
	s6 =	simm.s32 $0x108;
	_ =	swait.ge @!p0 [sflag:s8], $0x0  }
0x24: {  	s3 =	sadd.s32 $0x88, s3;
	s6 =	simm.s32 @!p1 $0x1082;
	[sflag:s4] =	ssyncset.s32 $0xFFFFF086  }
0x25: {  	[simem:s6], [sflag:s4] =	dma.local [hbm:s3], $0xF7A  }
0x26: {  	[smem:$0x3F9F] =	sst s1;
	(tag) =	ssettag s2;
	_ =	strace s9  }
0x27: {  	s1 =	sld [smem:$0x3FAF]  }
0x28: {  	s2 =	sld [smem:$0x3FB0]  }
0x29: {  	s4 =	sld [smem:$0x3FB2]  }
0x2a: {  	p0 =	seq.s32 s5, $0x0;
	s5 =	sld [smem:$0x3FB3]  }
0x2b: {  	s6 =	sld [smem:$0x3FB4]  }
0x2c: {  	s7 =	sld [smem:$0x3FB5]  }
0x2d: {  	s3 =	simm.s32 $0x108;
	s8 =	sld [smem:$0x3FB6]  }
0x2e: {  	s3 =	simm.s32 @!p0 $0x1082;
	s9 =	sld [smem:$0x3FB7]  }
0x2f: {  	lr =	sadd.s32 s0, s3;
	s0 =	sld [smem:$0x3FAE]  }
0x30: {  	s3 =	sld [smem:$0x3FB1]  }
0x31: {  	[smem:$0x3FBA] =	sst s10  }
0x32: {  	s10 =	sld [smem:$0x3FB8];
	_ =	sdelay $0x3  }
0x33: {  	p0 =	seq.s32 s10, $0x1;
	s10 =	sld [smem:$0x3FBA];
	_ =	sdelay $0x3  }
0x34: {  	[smem:$0x3FBA] =	sst s10  }
0x35: {  	s10 =	sld [smem:$0x3FB9];
	_ =	sdelay $0x3  }
0x36: {  	p1 =	seq.s32 s10, $0x1;
	s10 =	sld [smem:$0x3FBA];
	_ =	sdelay $0x3  }
0x37: {  	[smem:$0x3FBA] =	sst s10  }
0x38: {  	s10 =	sld [smem:$0x3FBB]  }
0x39: {  	_ = 	snop;
	(pc) =	sbr.ind lr, $3  }
0x3a: {  	_ = 	snop  }
0x3b: {  	_ = 	snop  }
0x3c: {  	p2 =	seq.s32 s10, $0x1;
	s10 =	sld [smem:$0x3FBA]  }
0x3d: {  	_ =	shalt  }
0x3e: {  	_ =	shalt  }
0x3f: {  	_ =	shalt  }
0x40: {  	_ =	shalt  }
0x41: {  	_ =	shalt  }
0x42: {  	_ =	shalt  }
0x43: {  	_ =	shalt  }
0x44: {  	_ =	shalt  }
0x45: {  	_ =	shalt  }
0x46: {  	_ =	shalt  }
0x47: {  	_ =	shalt  }
0x48: {  	_ =	shalt  }
0x49: {  	_ =	shalt  }
0x4a: {  	_ =	shalt  }
0x4b: {  	_ =	shalt  }
0x4c: {  	_ =	shalt  }
0x4d: {  	_ =	shalt  }
0x4e: {  	_ =	shalt  }
0x4f: {  	_ =	shalt  }
0x50: {  	_ =	shalt  }
0x51: {  	_ =	shalt  }
0x52: {  	_ =	shalt  }
0x53: {  	_ =	shalt  }
0x54: {  	_ =	shalt  }
0x55: {  	_ =	shalt  }
0x56: {  	_ =	shalt  }
0x57: {  	_ =	shalt  }
0x58: {  	_ =	shalt  }
0x59: {  	_ =	shalt  }
0x5a: {  	_ =	shalt  }
0x5b: {  	_ =	shalt  }
0x5c: {  	_ =	shalt  }
0x5d: {  	_ =	shalt  }
0x5e: {  	_ =	shalt  }
0x5f: {  	_ =	shalt  }
0x60: {  	_ =	shalt  }
0x61: {  	_ =	shalt  }
0x62: {  	_ =	shalt  }
0x63: {  	_ =	shalt  }
0x64: {  	_ =	shalt  }
0x65: {  	_ =	shalt  }
0x66: {  	_ =	shalt  }
0x67: {  	_ =	shalt  }
0x68: {  	_ =	shalt  }
0x69: {  	_ =	shalt  }
0x6a: {  	_ =	shalt  }
0x6b: {  	_ =	shalt  }
0x6c: {  	_ =	shalt  }
0x6d: {  	_ =	shalt  }
0x6e: {  	_ =	shalt  }
0x6f: {  	_ =	shalt  }
0x70: {  	_ =	shalt  }
0x71: {  	_ =	shalt  }
0x72: {  	_ =	shalt  }
0x73: {  	_ =	shalt  }
0x74: {  	_ =	shalt  }
0x75: {  	_ =	shalt  }
0x76: {  	_ =	shalt  }
0x77: {  	_ =	shalt  }
0x78: {  	_ =	shalt  }
0x79: {  	_ =	shalt  }
0x7a: {  	_ =	shalt  }
0x7b: {  	_ =	shalt  }
0x7c: {  	_ =	shalt  }
0x7d: {  	_ =	shalt  }
0x7e: {  	_ =	shalt  }
0x7f: {  	_ =	shalt  }
0x80: {  	_ =	shalt  }
0x81: {  	_ =	shalt  }
0x82: {  	_ =	shalt  }
0x83: {  	_ =	shalt  }
0x84: {  	_ =	shalt  }
0x85: {  	_ =	shalt  }
0x86: {  	_ =	shalt  }
0x87: {  	_ =	shalt  }
.Lfunc_end0:
.L_simem_size_0:
called_computation_lowered:
.L_overlay_start_0:
0x88: {  	s2 =	sld [smem:$0x3FD9]  }
0x89: {  	s3 =	sld [smem:$0x3FFE];
	_ =	sdelay $0x1  }
0x8a: {  	s1 =	srdreg.scid  }
0x8b: {  	s0 =	sand.u32 $0x1, s1  }
0x8c: {  	s18 =	sshll.u32 s0, $0xA;
	s2 =	sadd.s32 s3, s2  }
0x8d: {  	s2 =	sadd.s32 s2, s18  }
0x8e: {  	[smem:$0x3FC6] =	sst s2  }
0x8f: {  	_ = 	snop  }
0x90: {  	s2 =	sld [smem:$0x3FC9]  }
0x91: {  	s19 =	sld [smem:$0x3FC8]  }
0x92: {  	s4 =	sld [smem:$0x3FD0];
	(tm) =	ssettm $0x1  }
0x93: {  	s5 =	sld [smem:$0x3FFB];
	_ =	sdelay $0x3  }
0x94: {  	_ =	strace s5  }
0x95: {  	s5 =	sld [smem:$0x3FFC];
	_ =	sdelay $0x3  }
0x96: {  	_ =	strace s5  }
0x97: {  	s5 =	sld [smem:$0x3FFD];
	_ =	sdelay $0x3  }
0x98: {  	_ =	strace s5  }
0x99: {  	_ =	strace $0x8FFFFFFF  }
0x9a: {  	s20 =	sld [smem:$0x3FDB];
	_ =	sdelay $0x1  }
0x9b: {  	s6 =	simm.s32 $_scs_section_size  }
0x9c: {  	s7 =	simm.s32 $_size__tile_overlayer_lowered;
	s8 =	simm.s32 $_tile_overlayer_lowered  }
0x9d: {  	s23 =	simm.s32 $0x1BFF;
	s22 =	sshll.u32 s8, $0x1;
	s5 =	sadd.s32 s6, s20  }
0x9e: {  	s9 =	simm.s32 $0x0;
	s21 =	sshll.u32 s7, $0x1;
	s7 =	sadd.s32 s22, s5  }
0x9f: {  	[timem:s9], [sflag:s23] =	dma.local [hbm:s7], s21  }
0xa0: {  	_ =	swait.ge [sflag:s23], s21  }
0xa1: {  	s6 =	ssub.s32 $0x0, s21;
	[sflag:s23] =	ssyncset.done $0x0  }
0xa2: {  	[sflag:s23] =	ssyncadd.s32 s6;
	_ =	sdelay $0x1  }
0xa3: {  	s24 =	simm.s32 $0x1B8B  }
0xa4: {  	_ =	swait.ge [sflag:s24], $0x1  }
0xa5: {  	[sflag:s24] =	ssyncset.done $0x0  }
0xa6: {  	s25 =	simm.s32 $0x1B8E;
	[sflag:s24] =	ssyncadd.s32 $0xFFFFFFFF  }
0xa7: {  	s26 =	simm.s32 $execute0_lowered;
	[smem:$0x3FD2] =	sst s25  }
0xa8: {  	s6 =	sshll.u32 s26, $0x1;
	_ =	strace $0x80000046;
	[dreg:$0x1] =	wrdreg $0xFFFFFFFF  }
0xa9: {  	s28 =	simm.s32 $_size_execute0_lowered;
	s5 =	sadd.s32 s5, s6;
	[dreg:$0x0] =	wrdreg $0x0  }
0xaa: {  	s6 =	sshll.u32 s28, $0x1;
	[dreg:$0x2] =	wrdreg s5  }
0xab: {  	[dreg:$0x3] =	wrdreg s6  }
0xac: {  	[dreg:$0x4] =	wrdreg $0xC0  }
0xad: {  	_ =	task [dreg:s9], $0x5FFFF  }
0xae: {  	[dreg:$0x1] =	wrdreg $0xFFFFFFFF  }
0xaf: {  	[dreg:$0x0] =	wrdreg $0x60  }
0xb0: {  	[dreg:$0x2] =	wrdreg s2  }
0xb1: {  	[dreg:$0x3] =	wrdreg s19  }
0xb2: {  	[dreg:$0x4] =	wrdreg s4  }
0xb3: {  	[dreg:$0x5] =	wrdreg $0x9  }
0xb4: {  	_ =	task.clear_ibuf [dreg:s9], $0x6FFFF;
	_ =	strace $0x90000046  }
0xb5: {  	s29 =	simm.s32 $0x9;
	_ =	strace $0x80000048  }
0xb6: {  	_ =	swait.ge [sflag:s29], $0x1  }
0xb7: {  	[sflag:s29] =	ssyncadd.s32 $0xFFFFFFFF  }
0xb8: {  	_ =	strace $0x90000048  }
0xb9: {  	_ =	sfence  }
0xba: {  	s30 =	sld [smem:$0x0];
	_ =	sdelay $0x2  }
0xbb: {  	s31 =	sshll.u32 s1, $0xD;
	s1 =	sshrl.u32 s1, $0x2  }
0xbc: {  	s3 =	sand.u32 $0x4000, s31;
	s1 =	sadd.s32 s1, s30  }
0xbd: {  	s0 =	sor.u32 s3, s0;
	s1 =	sshll.u32 s1, $0x11  }
0xbe: {  	s0 =	sor.u32 s1, s0  }
0xbf: {  	s0 =	sadd.s32 $0x8F2B, s0  }
0xc0: {  	[sflag:s0] =	ssyncadd.remote.s32 $0x1  }
0xc1: {  	_ =	sfence.sel $0xFFFF  }
0xc2: {  	[dreg:$0x0] =	wrdreg $0xFFFFFFFF;
	(pc) =	sbr.abs _section_cstart, $3  }
0xc3: {  	[dreg:$0x1] =	wrdreg $0xFFFFFFFF  }
0xc4: {  	_ =	task.clear_ibuf [dreg:s9], $0x2FFFF;
	_ =	strace $0x9FFFFFFF  }
0xc5: {  	(tm) =	ssettm $0x7FFFFFFF  }
tec
execute0_lowered:
.L_overlay_start_1:
0x0: {  	(tag) =	ssettag $0x1  }
0x1: {  	s6 =	rddreg [dreg:$0x0]  }
0x2: {  	s1 =	rddreg [dreg:$0x1]  }
0x3: {  	s3 =	rddreg [dreg:$0x2]  }
0x4: {  	s0 =	rddreg [dreg:$0x3];
	s5 =	srdreg.scid;
	s4 =	simm.s32 $0x0  }
0x5: {  	s2 =	stileid.u32;
	s10 =	simm.s32 $0x5;
	s11 =	simm.s32 $0x80  }
0x6: {  	s12 =	simm.s32 $0x6400;
	s13 =	simm.s32 $0xA400;
	s14 =	simm.s32 $0x1  }
0x7: {  	s15 =	simm.s32 $0xE400;
	s16 =	simm.s32 $0x2;
	s17 =	simm.s32 $0x4  }
0x8: {  	v0 =	vlaneseq.u32;
	s18 =	simm.s32 $0x10400;
	s19 =	simm.s32 $0x3;
	s20 =	simm.s32 $0x0  }
.Ltmp0:
0x9: {  	s5 =	sand.u32 $0x1, s5;
	s8 =	sshll.u32 s2, $0xB;
	v0 =	vmul.u32 $0x80, v0;
	(pc) =	sbr.rel .LBB2_1-.Ltmp0, $4  }
0xa: {  	[smem:$0x7FF] =	sst s4;
	s7 =	ssub.s32 $0x2, s5;
	s5 =	sshll.u32 s5, $0xA  }
0xb: {  	_ =	strace $0x80000047;
	s9 =	sshrl.u32 s7, $0x1;
	s5 =	sor.u32 s5, s8;
	v1 =	vor.u32 $0x800, v0  }
0xc: {  	v2 =	vor.u32 $0x1000, v0;
	v3 =	vor.u32 $0x1800, v0;
	v4 =	vor.u32 $0x2000, v0;
	s7 =	ssub.s32 s7, s9;
	s8 =	sshrl.u32 s5, $0x3;
	s9 =	simm.s32 $0x8000  }
0xd: {  	v5 =	vor.u32 $0x2800, v0;
	v6 =	vor.u32 $0x3000, v0;
	v7 =	vor.u32 $0x3800, v0;
	s6 =	sadd.s32 s6, s8;
	s7 =	smax.u32 s7, $0x1;
	s8 =	simm.s32 $0x400  }
.LBB2_111:
0xe: {  	s20 =	sadd.s32 $0x1, s20  }
0xf: {  	_ =	swait.ge [sflag:s19], $0x2000;
	p0 =	sne.s32 s20, s7  }
.Ltmp1:
0x10: {  	[sflag:s19] =	ssyncset.done $0x0;
	(pc) =	sbr.rel @!p0 .LBB2_112-.Ltmp1, $4  }
0x11: {  	[sflag:s19] =	ssyncadd.s32 $0xFFFFE000  }
0x12: {  	_ =	swait.ge [sflag:s17], $0x2000  }
0x13: {  	[sflag:s17] =	ssyncset.done $0x0  }
0x14: {  	[sflag:s17] =	ssyncadd.s32 $0xFFFFE000  }
.LBB2_1:
0x15: {  	[tilespmem:s4], [sflag:$0x5] =	stream.strided.gather [hbm4b:s6+s8], $0x6400, s9, s8, $0x38;
	[tilespmem:$0x12400] =	vst v63  }
0x16: {  	_ =	swait.ge [sflag:s10], $0x6400  }
0x17: {  	[sflag:s10] =	ssyncset.done $0x0  }
0x18: {  	s21 =	simm.s32 $0x0;
	[sflag:s10] =	ssyncadd.s32 $0xFFFF9C00  }
0x19: {  	[tilespmem:s12], [sflag:$0x1] =	stream.indirect.gather [hbm4b:s1+s11], $0x80, s4, s11, $0xb8;
	[tilespmem:$0x12400] =	vst v63  }
.LBB2_2:
0x1a: {  	s22 =	sshllo.u32 s21, $0x1  }
0x1b: {  	s23 =	sshll.u32 s22, $0x7  }
0x1c: {  	s23 =	sand.u32 $0x3FFFFF80, s23  }
0x1d: {  	v8 =	vimm.s32 $0x0;
	[tilespmem:s13], [sflag:$0x2] =	stream.indirect.gather [hbm4b:s1+s11], $0x80, s23, s11, $0xb8;
	[tilespmem:$0x12400] =	vst v63  }
0x1e: {  	v9 =	vand.u32 $0xFFFFFFF8, v8;
	_ =	swait.ge [sflag:s14], $0x4000  }
0x1f: {  	p0 =	seq.s32 s21, $0x0;
	v10 =	vadd.s32 v0, v9;
	[sflag:s14] =	ssyncset.done $0x0  }
0x20: {  	s23 =	simm.s32 @!p0 $0x3;
	v11 =	vor.u32 $0x7, v10;
	[sflag:s14] =	ssyncadd.s32 $0xFFFFC000  }
0x21: {  	v12 =	vor.u32 $0x1, v10;
	_ =	swait.ge @!p0 [sflag:s23], $0x2000  }
0x22: {  	v13 =	vor.u32 $0x2, v10;
	[sflag:s23] =	ssyncset.done @!p0 $0x0  }
0x23: {  	v14 =	vor.u32 $0x3, v10;
	[sflag:s23] =	ssyncadd.s32 @!p0 $0xFFFFE000  }
0x24: {  	v15 =	vor.u32 $0x4, v10;
	v16 =	vld.idx.msk [tilespmem:v10+s12+$0x0], $0xffff  }
0x25: {  	v8 =	vadd.s32 $0x8, v8;
	v17 =	vor.u32 $0x5, v10;
	v11 =	vld.idx.msk [tilespmem:v11+s12+$0x0], $0xffff  }
0x26: {  	v18 =	vor.u32 $0x6, v10;
	v10 =	vand.u32 $0xFFFFFFF8, v8;
	v12 =	vld.idx.msk [tilespmem:v12+s12+$0x0], $0xffff  }
0x27: {  	v13 =	vld.idx.msk [tilespmem:v13+s12+$0x0], $0xffff;
	v19 =	vadd.s32 v0, v10  }
0x28: {  	v14 =	vld.idx.msk [tilespmem:v14+s12+$0x0], $0xffff;
	v20 =	vor.u32 $0x7, v19  }
0x29: {  	v15 =	vld.idx.msk [tilespmem:v15+s12+$0x0], $0xffff;
	v21 =	vor.u32 $0x1, v19  }
0x2a: {  	v25 =	vld.idx.msk [tilespmem:v17+s12+$0x0], $0xffff;
	v22 =	vor.u32 $0x2, v19  }
0x2b: {  	v26 =	vld.idx.msk [tilespmem:v18+s12+$0x0], $0xffff;
	v17 =	vor.u32 $0x3, v19  }
0x2c: {  	v18 =	vor.u32 $0x4, v19;
	v11 =	vmul.f32 $8.000000000e+00, v11;
	v27 =	vld.idx.msk [tilespmem:v19+s12+$0x0], $0xffff  }
0x2d: {  	s23 =	simm.s32 $0xE600;
	v8 =	vadd.s32 $0x8, v8;
	v28 =	vor.u32 $0x5, v19;
	v12 =	vmul.f32 $8.000000000e+00, v12;
	v20 =	vld.idx.msk [tilespmem:v20+s12+$0x0], $0xffff  }
0x2e: {  	v29 =	vor.u32 $0x6, v19;
	v13 =	vmul.f32 $8.000000000e+00, v13;
	[tilespmem:s23+$0x180] =	vst v11;
	v11 =	vand.u32 $0xFFFFFFF8, v8;
	v30 =	vld.idx.msk [tilespmem:v21+s12+$0x0], $0xffff  }
0x2f: {  	v25 =	vmul.f32 $8.000000000e+00, v25;
	[tilespmem:s23+$0xFFFFFE80] =	vst v12;
	v32 =	vld.idx.msk [tilespmem:v22+s12+$0x0], $0xffff;
	v31 =	vadd.s32 v0, v11  }
0x30: {  	v12 =	vmul.f32 $8.000000000e+00, v14;
	[tilespmem:s23+$0xFFFFFF00] =	vst v13;
	v23 =	vld.idx.msk [tilespmem:v17+s12+$0x0], $0xffff;
	v33 =	vor.u32 $0x7, v31  }
0x31: {  	v13 =	vmul.f32 $8.000000000e+00, v15;
	v24 =	vld.idx.msk [tilespmem:v18+s12+$0x0], $0xffff;
	[tilespmem:s23+$0x80] =	vst v25;
	v22 =	vor.u32 $0x1, v31  }
0x32: {  	v15 =	vmul.f32 $8.000000000e+00, v16;
	v16 =	vld.idx.msk [tilespmem:v28+s12+$0x0], $0xffff;
	v21 =	vmul.f32 $8.000000000e+00, v26;
	[tilespmem:s23+$0xFFFFFF80] =	vst v12;
	v19 =	vor.u32 $0x2, v31  }
0x33: {  	v26 =	vadd.s32 $0x8, v8;
	v17 =	vor.u32 $0x3, v31;
	[tilespmem:s23+$0x0] =	vst v13;
	v12 =	vld.idx.msk [tilespmem:v29+s12+$0x0], $0xffff;
	v29 =	vmul.f32 $8.000000000e+00, v20  }
0x34: {  	s24 =	simm.s32 $0xEA00;
	v18 =	vor.u32 $0x4, v31;
	[tilespmem:s23+$0xFFFFFE00] =	vst v15;
	v20 =	vmul.f32 $8.000000000e+00, v27;
	v27 =	vmul.f32 $8.000000000e+00, v30;
	v13 =	vld.idx.msk [tilespmem:v31+s12+$0x0], $0xffff  }
0x35: {  	s25 =	simm.s32 $0x10;
	v14 =	vor.u32 $0x5, v31;
	v15 =	vor.u32 $0x6, v31;
	v28 =	vmul.f32 $8.000000000e+00, v32;
	v25 =	vld.idx.msk [tilespmem:v33+s12+$0x0], $0xffff;
	[tilespmem:s24+$0x180] =	vst v29  }
.LBB2_3:
0x36: {  	v29 =	vand.u32 $0xFFFFFFF8, v26;
	s25 =	sadd.s32 $0x8, s25;
	v30 =	vld.idx.msk [tilespmem:v22+s12+$0x0], $0xffff;
	[tilespmem:s24+$0xFFFFFE80] =	vst v27;
	v27 =	vmul.f32 $8.000000000e+00, v23  }
0x37: {  	v29 =	vadd.s32 v0, v29;
	p1 =	slt.u32 s25, $0x38;
	v31 =	vld.idx.msk [tilespmem:v19+s12+$0x0], $0xffff;
	[tilespmem:s24+$0xFFFFFF00] =	vst v28;
	v28 =	vmul.f32 $8.000000000e+00, v24  }
0x38: {  	v22 =	vor.u32 $0x1, v29;
	v19 =	vor.u32 $0x2, v29;
	v32 =	vor.u32 $0x7, v29;
	v23 =	vld.idx.msk [tilespmem:v17+s12+$0x0], $0xffff;
	[tilespmem:s24+$0xFFFFFF80] =	vst v27  }
.Ltmp2:
0x39: {  	v17 =	vor.u32 $0x3, v29;
	v27 =	vor.u32 $0x5, v29;
	v24 =	vld.idx.msk [tilespmem:v18+s12+$0x0], $0xffff;
	v18 =	vor.u32 $0x4, v29;
	[tilespmem:s24+$0x0] =	vst v28;
	(pc) =	sbr.rel @p1 .LBB2_3-.Ltmp2, $4  }
0x3a: {  	v33 =	vmul.f32 $8.000000000e+00, v16;
	v28 =	vor.u32 $0x6, v29;
	v16 =	vld.idx.msk [tilespmem:v14+s12+$0x0], $0xffff;
	[tilespmem:s23+$0x100] =	vst v21;
	v21 =	vmul.f32 $8.000000000e+00, v12;
	v14 =	vmovc v27;
	s23 =	smov.u32 s24  }
0x3b: {  	v34 =	vmul.f32 $8.000000000e+00, v25;
	v12 =	vld.idx.msk [tilespmem:v15+s12+$0x0], $0xffff;
	[tilespmem:s24+$0xFFFFFE00] =	vst v20;
	v20 =	vmul.f32 $8.000000000e+00, v13;
	v15 =	vmov v28  }
0x3c: {  	v27 =	vmul.f32 $8.000000000e+00, v30;
	s24 =	sadd.s32 $0x400, s24;
	v13 =	vld.idx.msk [tilespmem:v29+s12+$0x0], $0xffff;
	[tilespmem:s23+$0x80] =	vst v33  }
0x3d: {  	v26 =	vadd.s32 $0x8, v26;
	v28 =	vmul.f32 $8.000000000e+00, v31;
	v25 =	vld.idx.msk [tilespmem:v32+s12+$0x0], $0xffff;
	[tilespmem:s24+$0x180] =	vst v34  }
0x3e: {  	_ = 	snop  }
0x3f: {  	[tilespmem:s24+$0xFFFFFE80] =	vst v27  }
0x40: {  	[tilespmem:s23+$0x100] =	vst v21  }
0x41: {  	v23 =	vmul.f32 $8.000000000e+00, v23;
	[tilespmem:s24+$0xFFFFFE00] =	vst v20  }
0x42: {  	v22 =	vld.idx.msk [tilespmem:v22+s12+$0x0], $0xffff;
	v24 =	vmul.f32 $8.000000000e+00, v24;
	[tilespmem:s24+$0xFFFFFF00] =	vst v28  }
0x43: {  	v19 =	vld.idx.msk [tilespmem:v19+s12+$0x0], $0xffff;
	v16 =	vmul.f32 $8.000000000e+00, v16;
	[tilespmem:s24+$0xFFFFFF80] =	vst v23  }
0x44: {  	v17 =	vld.idx.msk [tilespmem:v17+s12+$0x0], $0xffff;
	[tilespmem:s24+$0x0] =	vst v24;
	v12 =	vmul.f32 $8.000000000e+00, v12  }
0x45: {  	v14 =	vld.idx.msk [tilespmem:v14+s12+$0x0], $0xffff;
	[tilespmem:s24+$0x80] =	vst v16;
	v13 =	vmul.f32 $8.000000000e+00, v13  }
0x46: {  	s31 =	sadd.s32 $0x400, s24;
	v15 =	vld.idx.msk [tilespmem:v15+s12+$0x0], $0xffff;
	v21 =	vmul.f32 $8.000000000e+00, v25;
	[tilespmem:s24+$0x100] =	vst v12  }
0x47: {  	v18 =	vld.idx.msk [tilespmem:v18+s12+$0x0], $0xffff;
	v20 =	vmul.f32 $8.000000000e+00, v22;
	[tilespmem:s31+$0xFFFFFE00] =	vst v13  }
0x48: {  	v16 =	vmul.f32 $8.000000000e+00, v19;
	[tilespmem:s31+$0x180] =	vst v21  }
0x49: {  	v17 =	vmul.f32 $8.000000000e+00, v17;
	[tilespmem:s31+$0xFFFFFE80] =	vst v20  }
0x4a: {  	v9 =	vadd.s32 v1, v9;
	v14 =	vmul.f32 $8.000000000e+00, v14;
	[tilespmem:s31+$0xFFFFFF00] =	vst v16  }
0x4b: {  	v12 =	vor.u32 $0x7, v9;
	v15 =	vmul.f32 $8.000000000e+00, v15;
	[tilespmem:s31+$0xFFFFFF80] =	vst v17  }
0x4c: {  	v13 =	vor.u32 $0x1, v9;
	v16 =	vmul.f32 $8.000000000e+00, v18;
	[tilespmem:s31+$0x80] =	vst v14  }
0x4d: {  	v10 =	vadd.s32 v1, v10;
	[tilespmem:s31+$0x100] =	vst v15  }
0x4e: {  	v19 =	vor.u32 $0x7, v10;
	[tilespmem:s31+$0x0] =	vst v16  }
0x4f: {  	v14 =	vor.u32 $0x2, v9;
	v17 =	vld.idx.msk [tilespmem:v9+s12+$0x0], $0xffff  }
0x50: {  	v15 =	vor.u32 $0x3, v9;
	v12 =	vld.idx.msk [tilespmem:v12+s12+$0x0], $0xffff  }
0x51: {  	v18 =	vor.u32 $0x5, v9;
	v13 =	vld.idx.msk [tilespmem:v13+s12+$0x0], $0xffff  }
0x52: {  	v16 =	vor.u32 $0x4, v9;
	v24 =	vld.idx.msk [tilespmem:v10+s12+$0x0], $0xffff  }
0x53: {  	v9 =	vor.u32 $0x6, v9;
	v26 =	vld.idx.msk [tilespmem:v19+s12+$0x0], $0xffff  }
0x54: {  	v21 =	vor.u32 $0x2, v10;
	v14 =	vld.idx.msk [tilespmem:v14+s12+$0x0], $0xffff  }
0x55: {  	v20 =	vor.u32 $0x1, v10;
	v15 =	vld.idx.msk [tilespmem:v15+s12+$0x0], $0xffff  }
0x56: {  	v22 =	vor.u32 $0x3, v10;
	v18 =	vld.idx.msk [tilespmem:v18+s12+$0x0], $0xffff  }
0x57: {  	v25 =	vor.u32 $0x5, v10;
	v16 =	vld.idx.msk [tilespmem:v16+s12+$0x0], $0xffff;
	v12 =	vmul.f32 $8.000000000e+00, v12  }
0x58: {  	s23 =	simm.s32 $0xE610;
	v63 =	vadd.s32 v1, v11;
	v23 =	vld.idx.msk [tilespmem:v9+s12+$0x0], $0xffff;
	v9 =	vor.u32 $0x4, v10;
	v13 =	vmul.f32 $8.000000000e+00, v13  }
0x59: {  	v30 =	vor.u32 $0x7, v63;
	v29 =	vld.idx.msk [tilespmem:v21+s12+$0x0], $0xffff;
	v17 =	vmul.f32 $8.000000000e+00, v17;
	[tilespmem:s23+$0x180] =	vst v12  }
0x5a: {  	v27 =	vld.idx.msk [tilespmem:v20+s12+$0x0], $0xffff;
	v10 =	vor.u32 $0x6, v10;
	v14 =	vmul.f32 $8.000000000e+00, v14;
	[tilespmem:s23+$0xFFFFFE80] =	vst v13  }
0x5b: {  	v20 =	vld.idx.msk [tilespmem:v22+s12+$0x0], $0xffff;
	v12 =	vmul.f32 $8.000000000e+00, v15;
	[tilespmem:s23+$0xFFFFFE00] =	vst v17  }
0x5c: {  	v19 =	vor.u32 $0x1, v63;
	v13 =	vld.idx.msk [tilespmem:v25+s12+$0x0], $0xffff;
	v22 =	vmul.f32 $8.000000000e+00, v18;
	[tilespmem:s23+$0xFFFFFF00] =	vst v14  }
0x5d: {  	v25 =	vmul.f32 $8.000000000e+00, v26;
	v11 =	vmul.f32 $8.000000000e+00, v16;
	[tilespmem:s23+$0xFFFFFF80] =	vst v12;
	v16 =	vor.u32 $0x2, v63;
	v21 =	vld.idx.msk [tilespmem:v9+s12+$0x0], $0xffff  }
0x5e: {  	v8 =	vadd.s32 $0x8, v8;
	s24 =	simm.s32 $0xEA10;
	v17 =	vmul.f32 $8.000000000e+00, v24;
	v14 =	vor.u32 $0x3, v63;
	[tilespmem:s23+$0x80] =	vst v22;
	v22 =	vld.idx.msk [tilespmem:v30+s12+$0x0], $0xffff  }
0x5f: {  	v15 =	vor.u32 $0x4, v63;
	[tilespmem:s24+$0x180] =	vst v25;
	v9 =	vld.idx.msk [tilespmem:v10+s12+$0x0], $0xffff;
	v18 =	vmul.f32 $8.000000000e+00, v23;
	v23 =	vmul.f32 $8.000000000e+00, v27  }
0x60: {  	s25 =	simm.s32 $0x10;
	v24 =	vmul.f32 $8.000000000e+00, v29;
	v12 =	vor.u32 $0x6, v63;
	v10 =	vld.idx.msk [tilespmem:v63+s12+$0x0], $0xffff;
	[tilespmem:s23+$0x0] =	vst v11;
	v11 =	vor.u32 $0x5, v63  }
.LBB2_5:
0x61: {  	v25 =	vand.u32 $0xFFFFFFF8, v8;
	s25 =	sadd.s32 $0x8, s25;
	v26 =	vld.idx.msk [tilespmem:v19+s12+$0x0], $0xffff;
	[tilespmem:s24+$0xFFFFFE80] =	vst v23;
	v23 =	vmul.f32 $8.000000000e+00, v20  }
0x62: {  	v25 =	vadd.s32 v1, v25;
	p1 =	slt.u32 s25, $0x38;
	v27 =	vld.idx.msk [tilespmem:v16+s12+$0x0], $0xffff;
	[tilespmem:s24+$0xFFFFFF00] =	vst v24;
	v24 =	vmul.f32 $8.000000000e+00, v21  }
0x63: {  	v19 =	vor.u32 $0x1, v25;
	v16 =	vor.u32 $0x2, v25;
	v28 =	vor.u32 $0x7, v25;
	v20 =	vld.idx.msk [tilespmem:v14+s12+$0x0], $0xffff;
	[tilespmem:s24+$0xFFFFFF80] =	vst v23  }
.Ltmp3:
0x64: {  	v14 =	vor.u32 $0x3, v25;
	v23 =	vor.u32 $0x5, v25;
	v21 =	vld.idx.msk [tilespmem:v15+s12+$0x0], $0xffff;
	v15 =	vor.u32 $0x4, v25;
	[tilespmem:s24+$0x0] =	vst v24;
	(pc) =	sbr.rel @p1 .LBB2_5-.Ltmp3, $4  }
0x65: {  	v29 =	vmul.f32 $8.000000000e+00, v13;
	v24 =	vor.u32 $0x6, v25;
	v13 =	vld.idx.msk [tilespmem:v11+s12+$0x0], $0xffff;
	[tilespmem:s23+$0x100] =	vst v18;
	v18 =	vmul.f32 $8.000000000e+00, v9;
	v11 =	vmovc v23;
	s23 =	smov.u32 s24  }
0x66: {  	v30 =	vmul.f32 $8.000000000e+00, v22;
	v9 =	vld.idx.msk [tilespmem:v12+s12+$0x0], $0xffff;
	[tilespmem:s24+$0xFFFFFE00] =	vst v17;
	v17 =	vmul.f32 $8.000000000e+00, v10;
	v12 =	vmov v24  }
0x67: {  	v23 =	vmul.f32 $8.000000000e+00, v26;
	s24 =	sadd.s32 $0x400, s24;
	v10 =	vld.idx.msk [tilespmem:v25+s12+$0x0], $0xffff;
	[tilespmem:s23+$0x80] =	vst v29  }
0x68: {  	v8 =	vadd.s32 $0x8, v8;
	v24 =	vmul.f32 $8.000000000e+00, v27;
	v22 =	vld.idx.msk [tilespmem:v28+s12+$0x0], $0xffff;
	[tilespmem:s24+$0x180] =	vst v30  }
0x69: {  	_ =	sdelay $0x2  }
0x6a: {  	[tilespmem:s24+$0xFFFFFE80] =	vst v23  }
0x6b: {  	v8 =	vmul.f32 $8.000000000e+00, v20;
	v19 =	vld.idx.msk [tilespmem:v19+s12+$0x0], $0xffff;
	[tilespmem:s23+$0x100] =	vst v18  }
0x6c: {  	v16 =	vld.idx.msk [tilespmem:v16+s12+$0x0], $0xffff;
	[tilespmem:s24+$0xFFFFFE00] =	vst v17  }
0x6d: {  	v20 =	vmul.f32 $8.000000000e+00, v21;
	[tilespmem:s24+$0xFFFFFF80] =	vst v8;
	v8 =	vld.idx.msk [tilespmem:v14+s12+$0x0], $0xffff  }
0x6e: {  	[tilespmem:s24+$0xFFFFFF00] =	vst v24;
	v13 =	vmul.f32 $8.000000000e+00, v13;
	v14 =	vld.idx.msk [tilespmem:v15+s12+$0x0], $0xffff  }
0x6f: {  	[tilespmem:s24+$0x0] =	vst v20;
	v15 =	vmul.f32 $8.000000000e+00, v22  }
0x70: {  	s31 =	sadd.s32 $0x400, s24;
	[tilespmem:s24+$0x80] =	vst v13;
	v17 =	vmul.f32 $8.000000000e+00, v19  }
0x71: {  	v11 =	vld.idx.msk [tilespmem:v11+s12+$0x0], $0xffff;
	v13 =	vmul.f32 $8.000000000e+00, v16;
	[tilespmem:s31+$0x180] =	vst v15  }
0x72: {  	v12 =	vld.idx.msk [tilespmem:v12+s12+$0x0], $0xffff;
	[tilespmem:s31+$0xFFFFFE80] =	vst v17;
	v8 =	vmul.f32 $8.000000000e+00, v8  }
0x73: {  	v18 =	vimm.s32 $0x0;
	[tilespmem:s31+$0xFFFFFF00] =	vst v13;
	v13 =	vmul.f32 $8.000000000e+00, v14  }
0x74: {  	v14 =	vmul.f32 $8.000000000e+00, v9;
	v9 =	vand.u32 $0xFFFFFFF8, v18;
	[tilespmem:s31+$0xFFFFFF80] =	vst v8  }
0x75: {  	v8 =	vmul.f32 $8.000000000e+00, v10;
	[tilespmem:s31+$0x0] =	vst v13;
	v13 =	vadd.s32 v2, v9  }
0x76: {  	p2 =	por $0x1, $0x1;
	v10 =	vmul.f32 $8.000000000e+00, v11;
	[tilespmem:s24+$0x100] =	vst v14;
	v15 =	vor.u32 $0x7, v13  }
.Ltmp4:
0x77: {  	v11 =	vmul.f32 $8.000000000e+00, v12;
	[tilespmem:s31+$0xFFFFFE00] =	vst v8;
	(pc) =	sbr.rel @!p2 .LBB2_7-.Ltmp4, $4  }
0x78: {  	[tilespmem:s31+$0x80] =	vst v10  }
0x79: {  	v14 =	vor.u32 $0x1, v13;
	[tilespmem:s31+$0x100] =	vst v11  }
0x7a: {  	v12 =	vor.u32 $0x2, v13;
	v20 =	vor.u32 $0x4, v13;
	v16 =	vor.u32 $0x5, v13;
	v10 =	vld.idx.msk [tilespmem:v13+s12+$0x0], $0xffff  }
0x7b: {  	s23 =	simm.s32 $0xE620;
	p3 =	por $0x0, $0x0;
	p1 =	por $0x0, $0x0;
	v17 =	vor.u32 $0x6, v13;
	v11 =	vor.u32 $0x3, v13;
	v8 =	vadd.s32 $0x8, v18;
	v15 =	vld.idx.msk [tilespmem:v15+s12+$0x0], $0xffff  }
0x7c: {  	_ =	sdelay $0x3  }
0x7d: {  	v13 =	vand.u32 $0xFFFFFFF8, v8;
	v21 =	vld.idx.msk [tilespmem:v14+s12+$0x0], $0xffff  }
0x7e: {  	v23 =	vld.idx.msk [tilespmem:v12+s12+$0x0], $0xffff;
	v22 =	vadd.s32 v2, v13  }
0x7f: {  	v19 =	vld.idx.msk [tilespmem:v11+s12+$0x0], $0xffff;
	p4 =	por $0x1, $0x1;
	v27 =	vor.u32 $0x7, v22  }
.Ltmp5:
0x80: {  	v18 =	vld.idx.msk [tilespmem:v20+s12+$0x0], $0xffff;
	(pc) =	sbr.rel @!p4 .LBB2_9-.Ltmp5, $4  }
0x81: {  	v25 =	vld.idx.msk [tilespmem:v16+s12+$0x0], $0xffff;
	v28 =	vadd.s32 $0x8, v8;
	v14 =	vor.u32 $0x1, v22  }
0x82: {  	v13 =	vld.idx.msk [tilespmem:v17+s12+$0x0], $0xffff;
	v12 =	vor.u32 $0x2, v22;
	v11 =	vor.u32 $0x3, v22;
	v29 =	vmul.f32 $8.000000000e+00, v15  }
0x83: {  	v20 =	vor.u32 $0x4, v22;
	v16 =	vor.u32 $0x5, v22;
	v24 =	vmul.f32 $8.000000000e+00, v10;
	v10 =	vld.idx.msk [tilespmem:v22+s12+$0x0], $0xffff  }
0x84: {  	p3 =	por $0x1, $0x1;
	v17 =	vor.u32 $0x6, v22;
	v26 =	vmul.f32 $8.000000000e+00, v21;
	[tilespmem:s23+$0x180] =	vst v29;
	v15 =	vld.idx.msk [tilespmem:v27+s12+$0x0], $0xffff;
	v27 =	vmul.f32 $8.000000000e+00, v23  }
0x85: {  	_ =	sdelay $0x3  }
0x86: {  	v21 =	vand.u32 $0xFFFFFFF8, v28;
	v29 =	vld.idx.msk [tilespmem:v14+s12+$0x0], $0xffff  }
0x87: {  	v30 =	vld.idx.msk [tilespmem:v12+s12+$0x0], $0xffff;
	[tilespmem:s23+$0xFFFFFE80] =	vst v26;
	v26 =	vadd.s32 v2, v21  }
0x88: {  	v22 =	vmul.f32 $8.000000000e+00, v19;
	v19 =	vld.idx.msk [tilespmem:v11+s12+$0x0], $0xffff;
	p5 =	por $0x1, $0x1;
	[tilespmem:s23+$0xFFFFFF00] =	vst v27;
	v27 =	vor.u32 $0x7, v26  }
.Ltmp6:
0x89: {  	[tilespmem:s23+$0xFFFFFE00] =	vst v24;
	v21 =	vmul.f32 $8.000000000e+00, v18;
	v18 =	vld.idx.msk [tilespmem:v20+s12+$0x0], $0xffff;
	v25 =	vmul.f32 $8.000000000e+00, v25;
	v14 =	vor.u32 $0x1, v26;
	(pc) =	sbr.rel @!p5 .LBB2_11-.Ltmp6, $4  }
0x8a: {  	[tilespmem:s23+$0xFFFFFF80] =	vst v22;
	v12 =	vor.u32 $0x2, v26;
	v22 =	vld.idx.msk [tilespmem:v16+s12+$0x0], $0xffff;
	v11 =	vor.u32 $0x3, v26;
	v20 =	vor.u32 $0x4, v26  }
0x8b: {  	v16 =	vor.u32 $0x5, v26;
	[tilespmem:s23+$0x0] =	vst v21;
	v21 =	vmul.f32 $8.000000000e+00, v13;
	v13 =	vld.idx.msk [tilespmem:v17+s12+$0x0], $0xffff;
	v31 =	vmul.f32 $8.000000000e+00, v15  }
0x8c: {  	s24 =	simm.s32 $0xEA20;
	v23 =	vmul.f32 $8.000000000e+00, v10;
	v17 =	vor.u32 $0x6, v26;
	[tilespmem:s23+$0x80] =	vst v25;
	v10 =	vld.idx.msk [tilespmem:v26+s12+$0x0], $0xffff;
	v26 =	vmul.f32 $8.000000000e+00, v29  }
0x8d: {  	s26 =	simm.s32 $0x10;
	v24 =	vadd.s32 $0x8, v28;
	p4 =	por $0x1, $0x1;
	s25 =	simm.s32 $0xE620;
	[tilespmem:s24+$0x180] =	vst v31;
	v15 =	vld.idx.msk [tilespmem:v27+s12+$0x0], $0xffff;
	v27 =	vmul.f32 $8.000000000e+00, v30  }
.LBB2_12:
0x8e: {  	v25 =	vand.u32 $0xFFFFFFF8, v24;
	s26 =	sadd.s32 $0x8, s26;
	v28 =	vld.idx.msk [tilespmem:v14+s12+$0x0], $0xffff;
	[tilespmem:s24+$0xFFFFFE80] =	vst v26;
	v26 =	vmul.f32 $8.000000000e+00, v19  }
0x8f: {  	v25 =	vadd.s32 v2, v25;
	p5 =	slt.u32 s26, $0x38;
	v29 =	vld.idx.msk [tilespmem:v12+s12+$0x0], $0xffff;
	[tilespmem:s24+$0xFFFFFF00] =	vst v27;
	v27 =	vmul.f32 $8.000000000e+00, v18  }
0x90: {  	v14 =	vor.u32 $0x1, v25;
	v12 =	vor.u32 $0x2, v25;
	v30 =	vor.u32 $0x7, v25;
	v19 =	vld.idx.msk [tilespmem:v11+s12+$0x0], $0xffff;
	[tilespmem:s24+$0xFFFFFF80] =	vst v26  }
.Ltmp7:
0x91: {  	v11 =	vor.u32 $0x3, v25;
	v26 =	vor.u32 $0x5, v25;
	v18 =	vld.idx.msk [tilespmem:v20+s12+$0x0], $0xffff;
	v20 =	vor.u32 $0x4, v25;
	[tilespmem:s24+$0x0] =	vst v27;
	(pc) =	sbr.rel @p5 .LBB2_12-.Ltmp7, $4  }
0x92: {  	v31 =	vmul.f32 $8.000000000e+00, v22;
	v27 =	vor.u32 $0x6, v25;
	v22 =	vld.idx.msk [tilespmem:v16+s12+$0x0], $0xffff;
	[tilespmem:s25+$0x100] =	vst v21;
	v21 =	vmul.f32 $8.000000000e+00, v13;
	v16 =	vmovc v26;
	s25 =	smov.u32 s24  }
0x93: {  	v32 =	vmul.f32 $8.000000000e+00, v15;
	v13 =	vld.idx.msk [tilespmem:v17+s12+$0x0], $0xffff;
	[tilespmem:s24+$0xFFFFFE00] =	vst v23;
	v23 =	vmul.f32 $8.000000000e+00, v10;
	v17 =	vmov v27  }
0x94: {  	v26 =	vmul.f32 $8.000000000e+00, v28;
	s24 =	sadd.s32 $0x400, s24;
	v10 =	vld.idx.msk [tilespmem:v25+s12+$0x0], $0xffff;
	[tilespmem:s25+$0x80] =	vst v31  }
0x95: {  	v24 =	vadd.s32 $0x8, v24;
	v27 =	vmul.f32 $8.000000000e+00, v29;
	v15 =	vld.idx.msk [tilespmem:v30+s12+$0x0], $0xffff;
	[tilespmem:s24+$0x180] =	vst v32  }
0x96: {  	_ = 	snop  }
0x97: {  	v24 =	vmov v23;
	v25 =	vmov v22  }
.LBB2_14:
0x98: {  	_ =	sdelay $0x1  }
0x99: {  	[tilespmem:s24+$0xFFFFFE80] =	vst @p3 v26  }
0x9a: {  	[tilespmem:s24+$0xFFFFFF00] =	vst @p3 v27  }
0x9b: {  	v19 =	vmul.f32 @p3 $8.000000000e+00, v19;
	v14 =	vld.idx.msk [tilespmem:v14+s12+$0x0], $0xffff;
	[tilespmem:s25+$0x100] =	vst @p4 v21  }
0x9c: {  	v18 =	vmul.f32 @p3 $8.000000000e+00, v18;
	v12 =	vld.idx.msk [tilespmem:v12+s12+$0x0], $0xffff;
	[tilespmem:s24+$0xFFFFFE00] =	vst @p3 v24  }
0x9d: {  	v11 =	vld.idx.msk [tilespmem:v11+s12+$0x0], $0xffff;
	[tilespmem:s24+$0xFFFFFF80] =	vst @p3 v19;
	v19 =	vmul.f32 @p3 $8.000000000e+00, v25  }
0x9e: {  	s25 =	smov.u32 @p3 s24;
	[tilespmem:s24+$0x0] =	vst @p3 v18;
	v15 =	vmul.f32 $8.000000000e+00, v15;
	s24 =	sadd.s32 @p3 $0x400, s24  }
0x9f: {  	v10 =	vmul.f32 $8.000000000e+00, v10;
	v18 =	vld.idx.msk [tilespmem:v20+s12+$0x0], $0xffff;
	s23 =	smov.u32 @p3 s24;
	[tilespmem:s25+$0x80] =	vst @p3 v19  }
0xa0: {  	v16 =	vld.idx.msk [tilespmem:v16+s12+$0x0], $0xffff;
	[tilespmem:s23+$0x180] =	vst v15;
	v14 =	vmul.f32 $8.000000000e+00, v14  }
0xa1: {  	v15 =	vld.idx.msk [tilespmem:v17+s12+$0x0], $0xffff;
	[tilespmem:s23+$0xFFFFFE00] =	vst v10;
	v12 =	vmul.f32 $8.000000000e+00, v12  }
0xa2: {  	v13 =	vmul.f32 @p3 $8.000000000e+00, v13;
	v11 =	vmul.f32 $8.000000000e+00, v11;
	[tilespmem:s23+$0xFFFFFE80] =	vst v14  }
0xa3: {  	[tilespmem:s23+$0xFFFFFF00] =	vst v12  }
0xa4: {  	s24 =	smov.u32 @p3 s25;
	v12 =	vmul.f32 $8.000000000e+00, v18;
	[tilespmem:s23+$0xFFFFFF80] =	vst v11;
	v11 =	vpsel p3, v13, v0;
	v14 =	vadd.s32 v3, v9  }
0xa5: {  	v9 =	vmul.f32 $8.000000000e+00, v16;
	[tilespmem:s24+$0x100] =	vst @p3 v11;
	v11 =	vor.u32 $0x7, v14  }
.Ltmp8:
0xa6: {  	[tilespmem:s23+$0x0] =	vst v12;
	v12 =	vmul.f32 $8.000000000e+00, v15;
	(pc) =	sbr.rel @!p2 .LBB2_15-.Ltmp8, $4  }
0xa7: {  	[tilespmem:s23+$0x80] =	vst v9  }
0xa8: {  	[tilespmem:s23+$0x100] =	vst v12  }
0xa9: {  	v13 =	vor.u32 $0x1, v14;
	v19 =	vor.u32 $0x4, v14;
	v17 =	vor.u32 $0x5, v14;
	v10 =	vld.idx.msk [tilespmem:v14+s12+$0x0], $0xffff  }
0xaa: {  	v18 =	vor.u32 $0x6, v14;
	v9 =	vor.u32 $0x3, v14;
	v12 =	vor.u32 $0x2, v14;
	s23 =	simm.s32 $0xE630;
	v14 =	vld.idx.msk [tilespmem:v11+s12+$0x0], $0xffff  }
0xab: {  	_ =	sdelay $0x3  }
0xac: {  	v11 =	vand.u32 $0xFFFFFFF8, v8;
	v20 =	vld.idx.msk [tilespmem:v13+s12+$0x0], $0xffff  }
0xad: {  	v25 =	vld.idx.msk [tilespmem:v12+s12+$0x0], $0xffff;
	v21 =	vadd.s32 v3, v11  }
0xae: {  	v16 =	vld.idx.msk [tilespmem:v9+s12+$0x0], $0xffff;
	p3 =	por $0x1, $0x1;
	v26 =	vor.u32 $0x7, v21  }
.Ltmp9:
0xaf: {  	v15 =	vld.idx.msk [tilespmem:v19+s12+$0x0], $0xffff;
	(pc) =	sbr.rel @!p3 .LBB2_17-.Ltmp9, $4  }
0xb0: {  	v23 =	vld.idx.msk [tilespmem:v17+s12+$0x0], $0xffff;
	v13 =	vor.u32 $0x1, v21;
	v12 =	vor.u32 $0x2, v21  }
0xb1: {  	v11 =	vld.idx.msk [tilespmem:v18+s12+$0x0], $0xffff;
	v9 =	vor.u32 $0x3, v21;
	v19 =	vor.u32 $0x4, v21;
	v27 =	vmul.f32 $8.000000000e+00, v14  }
0xb2: {  	v17 =	vor.u32 $0x5, v21;
	v18 =	vor.u32 $0x6, v21;
	v22 =	vmul.f32 $8.000000000e+00, v10;
	v10 =	vld.idx.msk [tilespmem:v21+s12+$0x0], $0xffff  }
0xb3: {  	p2 =	por $0x1, $0x1;
	v24 =	vmul.f32 $8.000000000e+00, v20;
	v25 =	vmul.f32 $8.000000000e+00, v25;
	[tilespmem:s23+$0x180] =	vst v27;
	v14 =	vld.idx.msk [tilespmem:v26+s12+$0x0], $0xffff;
	v26 =	vadd.s32 $0x8, v8  }
0xb4: {  	_ =	sdelay $0x3  }
0xb5: {  	v8 =	vand.u32 $0xFFFFFFF8, v26;
	v27 =	vld.idx.msk [tilespmem:v13+s12+$0x0], $0xffff  }
0xb6: {  	v28 =	vld.idx.msk [tilespmem:v12+s12+$0x0], $0xffff;
	[tilespmem:s23+$0xFFFFFE80] =	vst v24;
	v24 =	vadd.s32 v3, v8  }
0xb7: {  	v20 =	vmul.f32 $8.000000000e+00, v16;
	v16 =	vld.idx.msk [tilespmem:v9+s12+$0x0], $0xffff;
	p3 =	por $0x1, $0x1;
	[tilespmem:s23+$0xFFFFFF00] =	vst v25;
	v25 =	vor.u32 $0x7, v24  }
.Ltmp10:
0xb8: {  	[tilespmem:s23+$0xFFFFFE00] =	vst v22;
	v8 =	vmul.f32 $8.000000000e+00, v15;
	v15 =	vld.idx.msk [tilespmem:v19+s12+$0x0], $0xffff;
	v23 =	vmul.f32 $8.000000000e+00, v23;
	v13 =	vor.u32 $0x1, v24;
	(pc) =	sbr.rel @!p3 .LBB2_19-.Ltmp10, $4  }
0xb9: {  	[tilespmem:s23+$0xFFFFFF80] =	vst v20;
	v12 =	vor.u32 $0x2, v24;
	v20 =	vld.idx.msk [tilespmem:v17+s12+$0x0], $0xffff;
	v9 =	vor.u32 $0x3, v24;
	v19 =	vor.u32 $0x4, v24  }
0xba: {  	v17 =	vor.u32 $0x5, v24;
	[tilespmem:s23+$0x0] =	vst v8;
	v8 =	vmul.f32 $8.000000000e+00, v11;
	v11 =	vld.idx.msk [tilespmem:v18+s12+$0x0], $0xffff;
	v29 =	vmul.f32 $8.000000000e+00, v14  }
0xbb: {  	s24 =	simm.s32 $0xEA30;
	v21 =	vmul.f32 $8.000000000e+00, v10;
	v18 =	vor.u32 $0x6, v24;
	[tilespmem:s23+$0x80] =	vst v23;
	v10 =	vld.idx.msk [tilespmem:v24+s12+$0x0], $0xffff;
	v24 =	vmul.f32 $8.000000000e+00, v27  }
0xbc: {  	s26 =	simm.s32 $0x10;
	v22 =	vadd.s32 $0x8, v26;
	p1 =	por $0x1, $0x1;
	s25 =	simm.s32 $0xE630;
	[tilespmem:s24+$0x180] =	vst v29;
	v14 =	vld.idx.msk [tilespmem:v25+s12+$0x0], $0xffff;
	v25 =	vmul.f32 $8.000000000e+00, v28  }
.LBB2_20:
0xbd: {  	v23 =	vand.u32 $0xFFFFFFF8, v22;
	s26 =	sadd.s32 $0x8, s26;
	v26 =	vld.idx.msk [tilespmem:v13+s12+$0x0], $0xffff;
	[tilespmem:s24+$0xFFFFFE80] =	vst v24;
	v24 =	vmul.f32 $8.000000000e+00, v16  }
0xbe: {  	v23 =	vadd.s32 v3, v23;
	p3 =	slt.u32 s26, $0x38;
	v27 =	vld.idx.msk [tilespmem:v12+s12+$0x0], $0xffff;
	[tilespmem:s24+$0xFFFFFF00] =	vst v25;
	v25 =	vmul.f32 $8.000000000e+00, v15  }
0xbf: {  	v13 =	vor.u32 $0x1, v23;
	v12 =	vor.u32 $0x2, v23;
	v28 =	vor.u32 $0x7, v23;
	v16 =	vld.idx.msk [tilespmem:v9+s12+$0x0], $0xffff;
	[tilespmem:s24+$0xFFFFFF80] =	vst v24  }
.Ltmp11:
0xc0: {  	v9 =	vor.u32 $0x3, v23;
	v24 =	vor.u32 $0x5, v23;
	v15 =	vld.idx.msk [tilespmem:v19+s12+$0x0], $0xffff;
	v19 =	vor.u32 $0x4, v23;
	[tilespmem:s24+$0x0] =	vst v25;
	(pc) =	sbr.rel @p3 .LBB2_20-.Ltmp11, $4  }
0xc1: {  	v29 =	vmul.f32 $8.000000000e+00, v20;
	v25 =	vor.u32 $0x6, v23;
	v20 =	vld.idx.msk [tilespmem:v17+s12+$0x0], $0xffff;
	[tilespmem:s25+$0x100] =	vst v8;
	v8 =	vmul.f32 $8.000000000e+00, v11;
	v17 =	vmovc v24;
	s25 =	smov.u32 s24  }
0xc2: {  	v30 =	vmul.f32 $8.000000000e+00, v14;
	v11 =	vld.idx.msk [tilespmem:v18+s12+$0x0], $0xffff;
	[tilespmem:s24+$0xFFFFFE00] =	vst v21;
	v21 =	vmul.f32 $8.000000000e+00, v10;
	v18 =	vmov v25  }
0xc3: {  	v24 =	vmul.f32 $8.000000000e+00, v26;
	s24 =	sadd.s32 $0x400, s24;
	v10 =	vld.idx.msk [tilespmem:v23+s12+$0x0], $0xffff;
	[tilespmem:s25+$0x80] =	vst v29  }
0xc4: {  	v22 =	vadd.s32 $0x8, v22;
	v25 =	vmul.f32 $8.000000000e+00, v27;
	v14 =	vld.idx.msk [tilespmem:v28+s12+$0x0], $0xffff;
	[tilespmem:s24+$0x180] =	vst v30  }
0xc5: {  	_ = 	snop  }
0xc6: {  	v22 =	vmov v21;
	v23 =	vmov v20  }
.LBB2_22:
0xc7: {  	_ =	sdelay $0x2  }
0xc8: {  	[tilespmem:s24+$0xFFFFFE80] =	vst @p2 v24  }
0xc9: {  	v13 =	vld.idx.msk [tilespmem:v13+s12+$0x0], $0xffff;
	[tilespmem:s24+$0xFFFFFF00] =	vst @p2 v25  }
0xca: {  	v16 =	vmul.f32 @p2 $8.000000000e+00, v16;
	v12 =	vld.idx.msk [tilespmem:v12+s12+$0x0], $0xffff;
	[tilespmem:s25+$0x100] =	vst @p1 v8  }
0xcb: {  	v15 =	vmul.f32 @p2 $8.000000000e+00, v15;
	v9 =	vld.idx.msk [tilespmem:v9+s12+$0x0], $0xffff;
	[tilespmem:s24+$0xFFFFFE00] =	vst @p2 v22  }
0xcc: {  	[tilespmem:s24+$0xFFFFFF80] =	vst @p2 v16;
	v16 =	vmul.f32 @p2 $8.000000000e+00, v23  }
0xcd: {  	s25 =	smov.u32 @p2 s24;
	[tilespmem:s24+$0x0] =	vst @p2 v15;
	v15 =	vld.idx.msk [tilespmem:v19+s12+$0x0], $0xffff;
	v8 =	vmul.f32 $8.000000000e+00, v14;
	s24 =	sadd.s32 @p2 $0x400, s24  }
0xce: {  	s23 =	smov.u32 @p2 s24;
	[tilespmem:s25+$0x80] =	vst @p2 v16;
	v13 =	vmul.f32 $8.000000000e+00, v13  }
0xcf: {  	v14 =	vld.idx.msk [tilespmem:v17+s12+$0x0], $0xffff;
	[tilespmem:s23+$0x180] =	vst v8;
	v12 =	vmul.f32 $8.000000000e+00, v12  }
0xd0: {  	v11 =	vmul.f32 @p2 $8.000000000e+00, v11;
	v8 =	vld.idx.msk [tilespmem:v18+s12+$0x0], $0xffff;
	v9 =	vmul.f32 $8.000000000e+00, v9;
	[tilespmem:s23+$0xFFFFFE80] =	vst v13  }
0xd1: {  	v13 =	vimm.s32 $0x0;
	[tilespmem:s23+$0xFFFFFF00] =	vst v12  }
0xd2: {  	v11 =	vpsel p2, v11, v0;
	s24 =	smov.u32 @p2 s25;
	v12 =	vmul.f32 $8.000000000e+00, v15;
	[tilespmem:s23+$0xFFFFFF80] =	vst v9;
	v9 =	vand.u32 $0xFFFFFFF8, v13  }
0xd3: {  	v10 =	vmul.f32 $8.000000000e+00, v10;
	[tilespmem:s24+$0x100] =	vst @p2 v11;
	v15 =	vadd.s32 v4, v9  }
0xd4: {  	p2 =	por $0x1, $0x1;
	[tilespmem:s23+$0x0] =	vst v12;
	v12 =	vmul.f32 $8.000000000e+00, v14;
	v18 =	vor.u32 $0x7, v15  }
.Ltmp12:
0xd5: {  	[tilespmem:s23+$0xFFFFFE00] =	vst v10;
	v8 =	vmul.f32 $8.000000000e+00, v8;
	(pc) =	sbr.rel @!p2 .LBB2_23-.Ltmp12, $4  }
0xd6: {  	[tilespmem:s23+$0x80] =	vst v12  }
0xd7: {  	v14 =	vor.u32 $0x1, v15;
	[tilespmem:s23+$0x100] =	vst v8  }
0xd8: {  	v11 =	vor.u32 $0x3, v15;
	v20 =	vor.u32 $0x4, v15;
	v16 =	vor.u32 $0x5, v15;
	v10 =	vld.idx.msk [tilespmem:v15+s12+$0x0], $0xffff  }
0xd9: {  	p3 =	por $0x0, $0x0;
	p1 =	por $0x0, $0x0;
	v17 =	vor.u32 $0x6, v15;
	v12 =	vor.u32 $0x2, v15;
	s23 =	simm.s32 $0xE640;
	v8 =	vadd.s32 $0x8, v13;
	v15 =	vld.idx.msk [tilespmem:v18+s12+$0x0], $0xffff  }
0xda: {  	_ =	sdelay $0x3  }
0xdb: {  	v13 =	vand.u32 $0xFFFFFFF8, v8;
	v21 =	vld.idx.msk [tilespmem:v14+s12+$0x0], $0xffff  }
0xdc: {  	v23 =	vld.idx.msk [tilespmem:v12+s12+$0x0], $0xffff;
	v22 =	vadd.s32 v4, v13  }
0xdd: {  	v19 =	vld.idx.msk [tilespmem:v11+s12+$0x0], $0xffff;
	p4 =	por $0x1, $0x1;
	v27 =	vor.u32 $0x7, v22  }
.Ltmp13:
0xde: {  	v18 =	vld.idx.msk [tilespmem:v20+s12+$0x0], $0xffff;
	(pc) =	sbr.rel @!p4 .LBB2_25-.Ltmp13, $4  }
0xdf: {  	v25 =	vld.idx.msk [tilespmem:v16+s12+$0x0], $0xffff;
	v28 =	vadd.s32 $0x8, v8;
	v14 =	vor.u32 $0x1, v22  }
0xe0: {  	v13 =	vld.idx.msk [tilespmem:v17+s12+$0x0], $0xffff;
	v12 =	vor.u32 $0x2, v22;
	v11 =	vor.u32 $0x3, v22;
	v29 =	vmul.f32 $8.000000000e+00, v15  }
0xe1: {  	v20 =	vor.u32 $0x4, v22;
	v16 =	vor.u32 $0x5, v22;
	v24 =	vmul.f32 $8.000000000e+00, v10;
	v10 =	vld.idx.msk [tilespmem:v22+s12+$0x0], $0xffff  }
0xe2: {  	p3 =	por $0x1, $0x1;
	v17 =	vor.u32 $0x6, v22;
	v26 =	vmul.f32 $8.000000000e+00, v21;
	[tilespmem:s23+$0x180] =	vst v29;
	v15 =	vld.idx.msk [tilespmem:v27+s12+$0x0], $0xffff;
	v27 =	vmul.f32 $8.000000000e+00, v23  }
0xe3: {  	_ =	sdelay $0x3  }
0xe4: {  	v21 =	vand.u32 $0xFFFFFFF8, v28;
	v29 =	vld.idx.msk [tilespmem:v14+s12+$0x0], $0xffff  }
0xe5: {  	v30 =	vld.idx.msk [tilespmem:v12+s12+$0x0], $0xffff;
	[tilespmem:s23+$0xFFFFFE80] =	vst v26;
	v26 =	vadd.s32 v4, v21  }
0xe6: {  	v22 =	vmul.f32 $8.000000000e+00, v19;
	v19 =	vld.idx.msk [tilespmem:v11+s12+$0x0], $0xffff;
	p5 =	por $0x1, $0x1;
	[tilespmem:s23+$0xFFFFFF00] =	vst v27;
	v27 =	vor.u32 $0x7, v26  }
.Ltmp14:
0xe7: {  	[tilespmem:s23+$0xFFFFFE00] =	vst v24;
	v21 =	vmul.f32 $8.000000000e+00, v18;
	v18 =	vld.idx.msk [tilespmem:v20+s12+$0x0], $0xffff;
	v25 =	vmul.f32 $8.000000000e+00, v25;
	v14 =	vor.u32 $0x1, v26;
	(pc) =	sbr.rel @!p5 .LBB2_27-.Ltmp14, $4  }
0xe8: {  	[tilespmem:s23+$0xFFFFFF80] =	vst v22;
	v12 =	vor.u32 $0x2, v26;
	v22 =	vld.idx.msk [tilespmem:v16+s12+$0x0], $0xffff;
	v11 =	vor.u32 $0x3, v26;
	v20 =	vor.u32 $0x4, v26  }
0xe9: {  	v16 =	vor.u32 $0x5, v26;
	[tilespmem:s23+$0x0] =	vst v21;
	v21 =	vmul.f32 $8.000000000e+00, v13;
	v13 =	vld.idx.msk [tilespmem:v17+s12+$0x0], $0xffff;
	v31 =	vmul.f32 $8.000000000e+00, v15  }
0xea: {  	s24 =	simm.s32 $0xEA40;
	v23 =	vmul.f32 $8.000000000e+00, v10;
	v17 =	vor.u32 $0x6, v26;
	[tilespmem:s23+$0x80] =	vst v25;
	v10 =	vld.idx.msk [tilespmem:v26+s12+$0x0], $0xffff;
	v26 =	vmul.f32 $8.000000000e+00, v29  }
0xeb: {  	s26 =	simm.s32 $0x10;
	v24 =	vadd.s32 $0x8, v28;
	p4 =	por $0x1, $0x1;
	s25 =	simm.s32 $0xE640;
	[tilespmem:s24+$0x180] =	vst v31;
	v15 =	vld.idx.msk [tilespmem:v27+s12+$0x0], $0xffff;
	v27 =	vmul.f32 $8.000000000e+00, v30  }
.LBB2_28:
0xec: {  	v25 =	vand.u32 $0xFFFFFFF8, v24;
	s26 =	sadd.s32 $0x8, s26;
	v28 =	vld.idx.msk [tilespmem:v14+s12+$0x0], $0xffff;
	[tilespmem:s24+$0xFFFFFE80] =	vst v26;
	v26 =	vmul.f32 $8.000000000e+00, v19  }
0xed: {  	v25 =	vadd.s32 v4, v25;
	p5 =	slt.u32 s26, $0x38;
	v29 =	vld.idx.msk [tilespmem:v12+s12+$0x0], $0xffff;
	[tilespmem:s24+$0xFFFFFF00] =	vst v27;
	v27 =	vmul.f32 $8.000000000e+00, v18  }
0xee: {  	v14 =	vor.u32 $0x1, v25;
	v12 =	vor.u32 $0x2, v25;
	v30 =	vor.u32 $0x7, v25;
	v19 =	vld.idx.msk [tilespmem:v11+s12+$0x0], $0xffff;
	[tilespmem:s24+$0xFFFFFF80] =	vst v26  }
.Ltmp15:
0xef: {  	v11 =	vor.u32 $0x3, v25;
	v26 =	vor.u32 $0x5, v25;
	v18 =	vld.idx.msk [tilespmem:v20+s12+$0x0], $0xffff;
	v20 =	vor.u32 $0x4, v25;
	[tilespmem:s24+$0x0] =	vst v27;
	(pc) =	sbr.rel @p5 .LBB2_28-.Ltmp15, $4  }
0xf0: {  	v31 =	vmul.f32 $8.000000000e+00, v22;
	v27 =	vor.u32 $0x6, v25;
	v22 =	vld.idx.msk [tilespmem:v16+s12+$0x0], $0xffff;
	[tilespmem:s25+$0x100] =	vst v21;
	v21 =	vmul.f32 $8.000000000e+00, v13;
	v16 =	vmovc v26;
	s25 =	smov.u32 s24  }
0xf1: {  	v32 =	vmul.f32 $8.000000000e+00, v15;
	v13 =	vld.idx.msk [tilespmem:v17+s12+$0x0], $0xffff;
	[tilespmem:s24+$0xFFFFFE00] =	vst v23;
	v23 =	vmul.f32 $8.000000000e+00, v10;
	v17 =	vmov v27  }
0xf2: {  	v26 =	vmul.f32 $8.000000000e+00, v28;
	s24 =	sadd.s32 $0x400, s24;
	v10 =	vld.idx.msk [tilespmem:v25+s12+$0x0], $0xffff;
	[tilespmem:s25+$0x80] =	vst v31  }
0xf3: {  	v24 =	vadd.s32 $0x8, v24;
	v27 =	vmul.f32 $8.000000000e+00, v29;
	v15 =	vld.idx.msk [tilespmem:v30+s12+$0x0], $0xffff;
	[tilespmem:s24+$0x180] =	vst v32  }
0xf4: {  	_ = 	snop  }
0xf5: {  	v24 =	vmov v23;
	v25 =	vmov v22  }
.LBB2_30:
0xf6: {  	_ =	sdelay $0x1  }
0xf7: {  	[tilespmem:s24+$0xFFFFFE80] =	vst @p3 v26  }
0xf8: {  	[tilespmem:s24+$0xFFFFFF00] =	vst @p3 v27  }
0xf9: {  	v19 =	vmul.f32 @p3 $8.000000000e+00, v19;
	v14 =	vld.idx.msk [tilespmem:v14+s12+$0x0], $0xffff;
	[tilespmem:s25+$0x100] =	vst @p4 v21  }
0xfa: {  	v18 =	vmul.f32 @p3 $8.000000000e+00, v18;
	v12 =	vld.idx.msk [tilespmem:v12+s12+$0x0], $0xffff;
	[tilespmem:s24+$0xFFFFFE00] =	vst @p3 v24  }
0xfb: {  	v11 =	vld.idx.msk [tilespmem:v11+s12+$0x0], $0xffff;
	[tilespmem:s24+$0xFFFFFF80] =	vst @p3 v19;
	v19 =	vmul.f32 @p3 $8.000000000e+00, v25  }
0xfc: {  	s25 =	smov.u32 @p3 s24;
	[tilespmem:s24+$0x0] =	vst @p3 v18;
	v15 =	vmul.f32 $8.000000000e+00, v15;
	s24 =	sadd.s32 @p3 $0x400, s24  }
0xfd: {  	v10 =	vmul.f32 $8.000000000e+00, v10;
	v18 =	vld.idx.msk [tilespmem:v20+s12+$0x0], $0xffff;
	s23 =	smov.u32 @p3 s24;
	[tilespmem:s25+$0x80] =	vst @p3 v19  }
0xfe: {  	v16 =	vld.idx.msk [tilespmem:v16+s12+$0x0], $0xffff;
	[tilespmem:s23+$0x180] =	vst v15;
	v14 =	vmul.f32 $8.000000000e+00, v14  }
0xff: {  	v15 =	vld.idx.msk [tilespmem:v17+s12+$0x0], $0xffff;
	[tilespmem:s23+$0xFFFFFE00] =	vst v10;
	v12 =	vmul.f32 $8.000000000e+00, v12  }
0x100: {  	v13 =	vmul.f32 @p3 $8.000000000e+00, v13;
	v11 =	vmul.f32 $8.000000000e+00, v11;
	[tilespmem:s23+$0xFFFFFE80] =	vst v14  }
0x101: {  	[tilespmem:s23+$0xFFFFFF00] =	vst v12  }
0x102: {  	s24 =	smov.u32 @p3 s25;
	v12 =	vmul.f32 $8.000000000e+00, v18;
	[tilespmem:s23+$0xFFFFFF80] =	vst v11;
	v11 =	vpsel p3, v13, v0;
	v14 =	vadd.s32 v5, v9  }
0x103: {  	v9 =	vmul.f32 $8.000000000e+00, v16;
	[tilespmem:s24+$0x100] =	vst @p3 v11;
	v11 =	vor.u32 $0x7, v14  }
.Ltmp16:
0x104: {  	[tilespmem:s23+$0x0] =	vst v12;
	v12 =	vmul.f32 $8.000000000e+00, v15;
	(pc) =	sbr.rel @!p2 .LBB2_31-.Ltmp16, $4  }
0x105: {  	[tilespmem:s23+$0x80] =	vst v9  }
0x106: {  	[tilespmem:s23+$0x100] =	vst v12  }
0x107: {  	v13 =	vor.u32 $0x1, v14;
	v19 =	vor.u32 $0x4, v14;
	v17 =	vor.u32 $0x5, v14;
	v10 =	vld.idx.msk [tilespmem:v14+s12+$0x0], $0xffff  }
0x108: {  	v18 =	vor.u32 $0x6, v14;
	v9 =	vor.u32 $0x3, v14;
	v12 =	vor.u32 $0x2, v14;
	s23 =	simm.s32 $0xE650;
	v14 =	vld.idx.msk [tilespmem:v11+s12+$0x0], $0xffff  }
0x109: {  	_ =	sdelay $0x3  }
0x10a: {  	v11 =	vand.u32 $0xFFFFFFF8, v8;
	v20 =	vld.idx.msk [tilespmem:v13+s12+$0x0], $0xffff  }
0x10b: {  	v25 =	vld.idx.msk [tilespmem:v12+s12+$0x0], $0xffff;
	v21 =	vadd.s32 v5, v11  }
0x10c: {  	v16 =	vld.idx.msk [tilespmem:v9+s12+$0x0], $0xffff;
	p3 =	por $0x1, $0x1;
	v26 =	vor.u32 $0x7, v21  }
.Ltmp17:
0x10d: {  	v15 =	vld.idx.msk [tilespmem:v19+s12+$0x0], $0xffff;
	(pc) =	sbr.rel @!p3 .LBB2_33-.Ltmp17, $4  }
0x10e: {  	v23 =	vld.idx.msk [tilespmem:v17+s12+$0x0], $0xffff;
	v13 =	vor.u32 $0x1, v21;
	v12 =	vor.u32 $0x2, v21  }
0x10f: {  	v11 =	vld.idx.msk [tilespmem:v18+s12+$0x0], $0xffff;
	v9 =	vor.u32 $0x3, v21;
	v19 =	vor.u32 $0x4, v21;
	v27 =	vmul.f32 $8.000000000e+00, v14  }
0x110: {  	v17 =	vor.u32 $0x5, v21;
	v18 =	vor.u32 $0x6, v21;
	v22 =	vmul.f32 $8.000000000e+00, v10;
	v10 =	vld.idx.msk [tilespmem:v21+s12+$0x0], $0xffff  }
0x111: {  	p2 =	por $0x1, $0x1;
	v24 =	vmul.f32 $8.000000000e+00, v20;
	v25 =	vmul.f32 $8.000000000e+00, v25;
	[tilespmem:s23+$0x180] =	vst v27;
	v14 =	vld.idx.msk [tilespmem:v26+s12+$0x0], $0xffff;
	v26 =	vadd.s32 $0x8, v8  }
0x112: {  	_ =	sdelay $0x3  }
0x113: {  	v8 =	vand.u32 $0xFFFFFFF8, v26;
	v27 =	vld.idx.msk [tilespmem:v13+s12+$0x0], $0xffff  }
0x114: {  	v28 =	vld.idx.msk [tilespmem:v12+s12+$0x0], $0xffff;
	[tilespmem:s23+$0xFFFFFE80] =	vst v24;
	v24 =	vadd.s32 v5, v8  }
0x115: {  	v20 =	vmul.f32 $8.000000000e+00, v16;
	v16 =	vld.idx.msk [tilespmem:v9+s12+$0x0], $0xffff;
	p3 =	por $0x1, $0x1;
	[tilespmem:s23+$0xFFFFFF00] =	vst v25;
	v25 =	vor.u32 $0x7, v24  }
.Ltmp18:
0x116: {  	[tilespmem:s23+$0xFFFFFE00] =	vst v22;
	v8 =	vmul.f32 $8.000000000e+00, v15;
	v15 =	vld.idx.msk [tilespmem:v19+s12+$0x0], $0xffff;
	v23 =	vmul.f32 $8.000000000e+00, v23;
	v13 =	vor.u32 $0x1, v24;
	(pc) =	sbr.rel @!p3 .LBB2_35-.Ltmp18, $4  }
0x117: {  	[tilespmem:s23+$0xFFFFFF80] =	vst v20;
	v12 =	vor.u32 $0x2, v24;
	v20 =	vld.idx.msk [tilespmem:v17+s12+$0x0], $0xffff;
	v9 =	vor.u32 $0x3, v24;
	v19 =	vor.u32 $0x4, v24  }
0x118: {  	v17 =	vor.u32 $0x5, v24;
	[tilespmem:s23+$0x0] =	vst v8;
	v8 =	vmul.f32 $8.000000000e+00, v11;
	v11 =	vld.idx.msk [tilespmem:v18+s12+$0x0], $0xffff;
	v29 =	vmul.f32 $8.000000000e+00, v14  }
0x119: {  	s24 =	simm.s32 $0xEA50;
	v21 =	vmul.f32 $8.000000000e+00, v10;
	v18 =	vor.u32 $0x6, v24;
	[tilespmem:s23+$0x80] =	vst v23;
	v10 =	vld.idx.msk [tilespmem:v24+s12+$0x0], $0xffff;
	v24 =	vmul.f32 $8.000000000e+00, v27  }
0x11a: {  	s26 =	simm.s32 $0x10;
	v22 =	vadd.s32 $0x8, v26;
	p1 =	por $0x1, $0x1;
	s25 =	simm.s32 $0xE650;
	[tilespmem:s24+$0x180] =	vst v29;
	v14 =	vld.idx.msk [tilespmem:v25+s12+$0x0], $0xffff;
	v25 =	vmul.f32 $8.000000000e+00, v28  }
.LBB2_36:
0x11b: {  	v23 =	vand.u32 $0xFFFFFFF8, v22;
	s26 =	sadd.s32 $0x8, s26;
	v26 =	vld.idx.msk [tilespmem:v13+s12+$0x0], $0xffff;
	[tilespmem:s24+$0xFFFFFE80] =	vst v24;
	v24 =	vmul.f32 $8.000000000e+00, v16  }
0x11c: {  	v23 =	vadd.s32 v5, v23;
	p3 =	slt.u32 s26, $0x38;
	v27 =	vld.idx.msk [tilespmem:v12+s12+$0x0], $0xffff;
	[tilespmem:s24+$0xFFFFFF00] =	vst v25;
	v25 =	vmul.f32 $8.000000000e+00, v15  }
0x11d: {  	v13 =	vor.u32 $0x1, v23;
	v12 =	vor.u32 $0x2, v23;
	v28 =	vor.u32 $0x7, v23;
	v16 =	vld.idx.msk [tilespmem:v9+s12+$0x0], $0xffff;
	[tilespmem:s24+$0xFFFFFF80] =	vst v24  }
.Ltmp19:
0x11e: {  	v9 =	vor.u32 $0x3, v23;
	v24 =	vor.u32 $0x5, v23;
	v15 =	vld.idx.msk [tilespmem:v19+s12+$0x0], $0xffff;
	v19 =	vor.u32 $0x4, v23;
	[tilespmem:s24+$0x0] =	vst v25;
	(pc) =	sbr.rel @p3 .LBB2_36-.Ltmp19, $4  }
0x11f: {  	v29 =	vmul.f32 $8.000000000e+00, v20;
	v25 =	vor.u32 $0x6, v23;
	v20 =	vld.idx.msk [tilespmem:v17+s12+$0x0], $0xffff;
	[tilespmem:s25+$0x100] =	vst v8;
	v8 =	vmul.f32 $8.000000000e+00, v11;
	v17 =	vmovc v24;
	s25 =	smov.u32 s24  }
0x120: {  	v30 =	vmul.f32 $8.000000000e+00, v14;
	v11 =	vld.idx.msk [tilespmem:v18+s12+$0x0], $0xffff;
	[tilespmem:s24+$0xFFFFFE00] =	vst v21;
	v21 =	vmul.f32 $8.000000000e+00, v10;
	v18 =	vmov v25  }
0x121: {  	v24 =	vmul.f32 $8.000000000e+00, v26;
	s24 =	sadd.s32 $0x400, s24;
	v10 =	vld.idx.msk [tilespmem:v23+s12+$0x0], $0xffff;
	[tilespmem:s25+$0x80] =	vst v29  }
0x122: {  	v22 =	vadd.s32 $0x8, v22;
	v25 =	vmul.f32 $8.000000000e+00, v27;
	v14 =	vld.idx.msk [tilespmem:v28+s12+$0x0], $0xffff;
	[tilespmem:s24+$0x180] =	vst v30  }
0x123: {  	_ = 	snop  }
0x124: {  	v22 =	vmov v21;
	v23 =	vmov v20  }
.LBB2_38:
0x125: {  	_ =	sdelay $0x2  }
0x126: {  	[tilespmem:s24+$0xFFFFFE80] =	vst @p2 v24  }
0x127: {  	v13 =	vld.idx.msk [tilespmem:v13+s12+$0x0], $0xffff;
	[tilespmem:s24+$0xFFFFFF00] =	vst @p2 v25  }
0x128: {  	v16 =	vmul.f32 @p2 $8.000000000e+00, v16;
	v12 =	vld.idx.msk [tilespmem:v12+s12+$0x0], $0xffff;
	[tilespmem:s25+$0x100] =	vst @p1 v8  }
0x129: {  	v15 =	vmul.f32 @p2 $8.000000000e+00, v15;
	v9 =	vld.idx.msk [tilespmem:v9+s12+$0x0], $0xffff;
	[tilespmem:s24+$0xFFFFFE00] =	vst @p2 v22  }
0x12a: {  	[tilespmem:s24+$0xFFFFFF80] =	vst @p2 v16;
	v16 =	vmul.f32 @p2 $8.000000000e+00, v23  }
0x12b: {  	s25 =	smov.u32 @p2 s24;
	[tilespmem:s24+$0x0] =	vst @p2 v15;
	v15 =	vld.idx.msk [tilespmem:v19+s12+$0x0], $0xffff;
	v8 =	vmul.f32 $8.000000000e+00, v14;
	s24 =	sadd.s32 @p2 $0x400, s24  }
0x12c: {  	s23 =	smov.u32 @p2 s24;
	[tilespmem:s25+$0x80] =	vst @p2 v16;
	v13 =	vmul.f32 $8.000000000e+00, v13  }
0x12d: {  	v14 =	vld.idx.msk [tilespmem:v17+s12+$0x0], $0xffff;
	[tilespmem:s23+$0x180] =	vst v8;
	v12 =	vmul.f32 $8.000000000e+00, v12  }
0x12e: {  	v11 =	vmul.f32 @p2 $8.000000000e+00, v11;
	v8 =	vld.idx.msk [tilespmem:v18+s12+$0x0], $0xffff;
	v9 =	vmul.f32 $8.000000000e+00, v9;
	[tilespmem:s23+$0xFFFFFE80] =	vst v13  }
0x12f: {  	v13 =	vimm.s32 $0x0;
	[tilespmem:s23+$0xFFFFFF00] =	vst v12  }
0x130: {  	v11 =	vpsel p2, v11, v0;
	s24 =	smov.u32 @p2 s25;
	v12 =	vmul.f32 $8.000000000e+00, v15;
	[tilespmem:s23+$0xFFFFFF80] =	vst v9;
	v9 =	vand.u32 $0xFFFFFFF8, v13  }
0x131: {  	v10 =	vmul.f32 $8.000000000e+00, v10;
	[tilespmem:s24+$0x100] =	vst @p2 v11;
	v15 =	vadd.s32 v6, v9  }
0x132: {  	p2 =	por $0x1, $0x1;
	[tilespmem:s23+$0x0] =	vst v12;
	v12 =	vmul.f32 $8.000000000e+00, v14;
	v18 =	vor.u32 $0x7, v15  }
.Ltmp20:
0x133: {  	[tilespmem:s23+$0xFFFFFE00] =	vst v10;
	v8 =	vmul.f32 $8.000000000e+00, v8;
	(pc) =	sbr.rel @!p2 .LBB2_39-.Ltmp20, $4  }
0x134: {  	[tilespmem:s23+$0x80] =	vst v12  }
0x135: {  	v14 =	vor.u32 $0x1, v15;
	[tilespmem:s23+$0x100] =	vst v8  }
0x136: {  	v11 =	vor.u32 $0x3, v15;
	v20 =	vor.u32 $0x4, v15;
	v16 =	vor.u32 $0x5, v15;
	v10 =	vld.idx.msk [tilespmem:v15+s12+$0x0], $0xffff  }
0x137: {  	p3 =	por $0x0, $0x0;
	p1 =	por $0x0, $0x0;
	v17 =	vor.u32 $0x6, v15;
	v12 =	vor.u32 $0x2, v15;
	s23 =	simm.s32 $0xE660;
	v8 =	vadd.s32 $0x8, v13;
	v15 =	vld.idx.msk [tilespmem:v18+s12+$0x0], $0xffff  }
0x138: {  	_ =	sdelay $0x3  }
0x139: {  	v13 =	vand.u32 $0xFFFFFFF8, v8;
	v21 =	vld.idx.msk [tilespmem:v14+s12+$0x0], $0xffff  }
0x13a: {  	v23 =	vld.idx.msk [tilespmem:v12+s12+$0x0], $0xffff;
	v22 =	vadd.s32 v6, v13  }
0x13b: {  	v19 =	vld.idx.msk [tilespmem:v11+s12+$0x0], $0xffff;
	p4 =	por $0x1, $0x1;
	v27 =	vor.u32 $0x7, v22  }
.Ltmp21:
0x13c: {  	v18 =	vld.idx.msk [tilespmem:v20+s12+$0x0], $0xffff;
	(pc) =	sbr.rel @!p4 .LBB2_41-.Ltmp21, $4  }
0x13d: {  	v25 =	vld.idx.msk [tilespmem:v16+s12+$0x0], $0xffff;
	v28 =	vadd.s32 $0x8, v8;
	v14 =	vor.u32 $0x1, v22  }
0x13e: {  	v13 =	vld.idx.msk [tilespmem:v17+s12+$0x0], $0xffff;
	v12 =	vor.u32 $0x2, v22;
	v11 =	vor.u32 $0x3, v22;
	v29 =	vmul.f32 $8.000000000e+00, v15  }
0x13f: {  	v20 =	vor.u32 $0x4, v22;
	v16 =	vor.u32 $0x5, v22;
	v24 =	vmul.f32 $8.000000000e+00, v10;
	v10 =	vld.idx.msk [tilespmem:v22+s12+$0x0], $0xffff  }
0x140: {  	p3 =	por $0x1, $0x1;
	v17 =	vor.u32 $0x6, v22;
	v26 =	vmul.f32 $8.000000000e+00, v21;
	[tilespmem:s23+$0x180] =	vst v29;
	v15 =	vld.idx.msk [tilespmem:v27+s12+$0x0], $0xffff;
	v27 =	vmul.f32 $8.000000000e+00, v23  }
0x141: {  	_ =	sdelay $0x3  }
0x142: {  	v21 =	vand.u32 $0xFFFFFFF8, v28;
	v29 =	vld.idx.msk [tilespmem:v14+s12+$0x0], $0xffff  }
0x143: {  	v30 =	vld.idx.msk [tilespmem:v12+s12+$0x0], $0xffff;
	[tilespmem:s23+$0xFFFFFE80] =	vst v26;
	v26 =	vadd.s32 v6, v21  }
0x144: {  	v22 =	vmul.f32 $8.000000000e+00, v19;
	v19 =	vld.idx.msk [tilespmem:v11+s12+$0x0], $0xffff;
	p5 =	por $0x1, $0x1;
	[tilespmem:s23+$0xFFFFFF00] =	vst v27;
	v27 =	vor.u32 $0x7, v26  }
.Ltmp22:
0x145: {  	[tilespmem:s23+$0xFFFFFE00] =	vst v24;
	v21 =	vmul.f32 $8.000000000e+00, v18;
	v18 =	vld.idx.msk [tilespmem:v20+s12+$0x0], $0xffff;
	v25 =	vmul.f32 $8.000000000e+00, v25;
	v14 =	vor.u32 $0x1, v26;
	(pc) =	sbr.rel @!p5 .LBB2_43-.Ltmp22, $4  }
0x146: {  	[tilespmem:s23+$0xFFFFFF80] =	vst v22;
	v12 =	vor.u32 $0x2, v26;
	v22 =	vld.idx.msk [tilespmem:v16+s12+$0x0], $0xffff;
	v11 =	vor.u32 $0x3, v26;
	v20 =	vor.u32 $0x4, v26  }
0x147: {  	v16 =	vor.u32 $0x5, v26;
	[tilespmem:s23+$0x0] =	vst v21;
	v21 =	vmul.f32 $8.000000000e+00, v13;
	v13 =	vld.idx.msk [tilespmem:v17+s12+$0x0], $0xffff;
	v31 =	vmul.f32 $8.000000000e+00, v15  }
0x148: {  	s24 =	simm.s32 $0xEA60;
	v23 =	vmul.f32 $8.000000000e+00, v10;
	v17 =	vor.u32 $0x6, v26;
	[tilespmem:s23+$0x80] =	vst v25;
	v10 =	vld.idx.msk [tilespmem:v26+s12+$0x0], $0xffff;
	v26 =	vmul.f32 $8.000000000e+00, v29  }
0x149: {  	s26 =	simm.s32 $0x10;
	v24 =	vadd.s32 $0x8, v28;
	p4 =	por $0x1, $0x1;
	s25 =	simm.s32 $0xE660;
	[tilespmem:s24+$0x180] =	vst v31;
	v15 =	vld.idx.msk [tilespmem:v27+s12+$0x0], $0xffff;
	v27 =	vmul.f32 $8.000000000e+00, v30  }
.LBB2_44:
0x14a: {  	v25 =	vand.u32 $0xFFFFFFF8, v24;
	s26 =	sadd.s32 $0x8, s26;
	v28 =	vld.idx.msk [tilespmem:v14+s12+$0x0], $0xffff;
	[tilespmem:s24+$0xFFFFFE80] =	vst v26;
	v26 =	vmul.f32 $8.000000000e+00, v19  }
0x14b: {  	v25 =	vadd.s32 v6, v25;
	p5 =	slt.u32 s26, $0x38;
	v29 =	vld.idx.msk [tilespmem:v12+s12+$0x0], $0xffff;
	[tilespmem:s24+$0xFFFFFF00] =	vst v27;
	v27 =	vmul.f32 $8.000000000e+00, v18  }
0x14c: {  	v14 =	vor.u32 $0x1, v25;
	v12 =	vor.u32 $0x2, v25;
	v30 =	vor.u32 $0x7, v25;
	v19 =	vld.idx.msk [tilespmem:v11+s12+$0x0], $0xffff;
	[tilespmem:s24+$0xFFFFFF80] =	vst v26  }
.Ltmp23:
0x14d: {  	v11 =	vor.u32 $0x3, v25;
	v26 =	vor.u32 $0x5, v25;
	v18 =	vld.idx.msk [tilespmem:v20+s12+$0x0], $0xffff;
	v20 =	vor.u32 $0x4, v25;
	[tilespmem:s24+$0x0] =	vst v27;
	(pc) =	sbr.rel @p5 .LBB2_44-.Ltmp23, $4  }
0x14e: {  	v31 =	vmul.f32 $8.000000000e+00, v22;
	v27 =	vor.u32 $0x6, v25;
	v22 =	vld.idx.msk [tilespmem:v16+s12+$0x0], $0xffff;
	[tilespmem:s25+$0x100] =	vst v21;
	v21 =	vmul.f32 $8.000000000e+00, v13;
	v16 =	vmovc v26;
	s25 =	smov.u32 s24  }
0x14f: {  	v32 =	vmul.f32 $8.000000000e+00, v15;
	v13 =	vld.idx.msk [tilespmem:v17+s12+$0x0], $0xffff;
	[tilespmem:s24+$0xFFFFFE00] =	vst v23;
	v23 =	vmul.f32 $8.000000000e+00, v10;
	v17 =	vmov v27  }
0x150: {  	v26 =	vmul.f32 $8.000000000e+00, v28;
	s24 =	sadd.s32 $0x400, s24;
	v10 =	vld.idx.msk [tilespmem:v25+s12+$0x0], $0xffff;
	[tilespmem:s25+$0x80] =	vst v31  }
0x151: {  	v24 =	vadd.s32 $0x8, v24;
	v27 =	vmul.f32 $8.000000000e+00, v29;
	v15 =	vld.idx.msk [tilespmem:v30+s12+$0x0], $0xffff;
	[tilespmem:s24+$0x180] =	vst v32  }
0x152: {  	_ = 	snop  }
0x153: {  	v24 =	vmov v23;
	v25 =	vmov v22  }
.LBB2_46:
0x154: {  	_ =	sdelay $0x1  }
0x155: {  	[tilespmem:s24+$0xFFFFFE80] =	vst @p3 v26  }
0x156: {  	[tilespmem:s24+$0xFFFFFF00] =	vst @p3 v27  }
0x157: {  	v19 =	vmul.f32 @p3 $8.000000000e+00, v19;
	v14 =	vld.idx.msk [tilespmem:v14+s12+$0x0], $0xffff;
	[tilespmem:s25+$0x100] =	vst @p4 v21  }
0x158: {  	v18 =	vmul.f32 @p3 $8.000000000e+00, v18;
	v12 =	vld.idx.msk [tilespmem:v12+s12+$0x0], $0xffff;
	[tilespmem:s24+$0xFFFFFE00] =	vst @p3 v24  }
0x159: {  	v11 =	vld.idx.msk [tilespmem:v11+s12+$0x0], $0xffff;
	[tilespmem:s24+$0xFFFFFF80] =	vst @p3 v19;
	v19 =	vmul.f32 @p3 $8.000000000e+00, v25  }
0x15a: {  	s25 =	smov.u32 @p3 s24;
	[tilespmem:s24+$0x0] =	vst @p3 v18;
	v15 =	vmul.f32 $8.000000000e+00, v15;
	s24 =	sadd.s32 @p3 $0x400, s24  }
0x15b: {  	v10 =	vmul.f32 $8.000000000e+00, v10;
	v18 =	vld.idx.msk [tilespmem:v20+s12+$0x0], $0xffff;
	s23 =	smov.u32 @p3 s24;
	[tilespmem:s25+$0x80] =	vst @p3 v19  }
0x15c: {  	v16 =	vld.idx.msk [tilespmem:v16+s12+$0x0], $0xffff;
	[tilespmem:s23+$0x180] =	vst v15;
	v14 =	vmul.f32 $8.000000000e+00, v14  }
0x15d: {  	v15 =	vld.idx.msk [tilespmem:v17+s12+$0x0], $0xffff;
	[tilespmem:s23+$0xFFFFFE00] =	vst v10;
	v12 =	vmul.f32 $8.000000000e+00, v12  }
0x15e: {  	v13 =	vmul.f32 @p3 $8.000000000e+00, v13;
	v11 =	vmul.f32 $8.000000000e+00, v11;
	[tilespmem:s23+$0xFFFFFE80] =	vst v14  }
0x15f: {  	[tilespmem:s23+$0xFFFFFF00] =	vst v12  }
0x160: {  	s24 =	smov.u32 @p3 s25;
	v12 =	vmul.f32 $8.000000000e+00, v18;
	[tilespmem:s23+$0xFFFFFF80] =	vst v11;
	v11 =	vpsel p3, v13, v0;
	v14 =	vadd.s32 v7, v9  }
0x161: {  	v9 =	vmul.f32 $8.000000000e+00, v16;
	[tilespmem:s24+$0x100] =	vst @p3 v11;
	v11 =	vor.u32 $0x7, v14  }
.Ltmp24:
0x162: {  	[tilespmem:s23+$0x0] =	vst v12;
	v12 =	vmul.f32 $8.000000000e+00, v15;
	(pc) =	sbr.rel @!p2 .LBB2_47-.Ltmp24, $4  }
0x163: {  	[tilespmem:s23+$0x80] =	vst v9  }
0x164: {  	[tilespmem:s23+$0x100] =	vst v12  }
0x165: {  	v13 =	vor.u32 $0x1, v14;
	v10 =	vor.u32 $0x3, v14;
	v19 =	vor.u32 $0x4, v14;
	v9 =	vld.idx.msk [tilespmem:v14+s12+$0x0], $0xffff  }
0x166: {  	v17 =	vor.u32 $0x5, v14;
	v18 =	vor.u32 $0x6, v14;
	v12 =	vor.u32 $0x2, v14;
	s23 =	simm.s32 $0xE670;
	v14 =	vld.idx.msk [tilespmem:v11+s12+$0x0], $0xffff  }
0x167: {  	_ =	sdelay $0x3  }
0x168: {  	v11 =	vand.u32 $0xFFFFFFF8, v8;
	v20 =	vld.idx.msk [tilespmem:v13+s12+$0x0], $0xffff  }
0x169: {  	v25 =	vld.idx.msk [tilespmem:v12+s12+$0x0], $0xffff;
	v21 =	vadd.s32 v7, v11  }
0x16a: {  	v16 =	vld.idx.msk [tilespmem:v10+s12+$0x0], $0xffff;
	p3 =	por $0x1, $0x1;
	v26 =	vor.u32 $0x7, v21  }
.Ltmp25:
0x16b: {  	v15 =	vld.idx.msk [tilespmem:v19+s12+$0x0], $0xffff;
	(pc) =	sbr.rel @!p3 .LBB2_49-.Ltmp25, $4  }
0x16c: {  	v23 =	vld.idx.msk [tilespmem:v17+s12+$0x0], $0xffff;
	v13 =	vor.u32 $0x1, v21;
	v12 =	vor.u32 $0x2, v21  }
0x16d: {  	v11 =	vld.idx.msk [tilespmem:v18+s12+$0x0], $0xffff;
	v10 =	vor.u32 $0x3, v21;
	v19 =	vor.u32 $0x4, v21;
	v27 =	vmul.f32 $8.000000000e+00, v14  }
0x16e: {  	v17 =	vor.u32 $0x5, v21;
	v18 =	vor.u32 $0x6, v21;
	v22 =	vmul.f32 $8.000000000e+00, v9;
	v9 =	vld.idx.msk [tilespmem:v21+s12+$0x0], $0xffff  }
0x16f: {  	p2 =	por $0x1, $0x1;
	v24 =	vmul.f32 $8.000000000e+00, v20;
	v25 =	vmul.f32 $8.000000000e+00, v25;
	[tilespmem:s23+$0x180] =	vst v27;
	v14 =	vld.idx.msk [tilespmem:v26+s12+$0x0], $0xffff;
	v26 =	vadd.s32 $0x8, v8  }
0x170: {  	_ =	sdelay $0x3  }
0x171: {  	v8 =	vand.u32 $0xFFFFFFF8, v26;
	v27 =	vld.idx.msk [tilespmem:v13+s12+$0x0], $0xffff  }
0x172: {  	v28 =	vld.idx.msk [tilespmem:v12+s12+$0x0], $0xffff;
	[tilespmem:s23+$0xFFFFFE80] =	vst v24;
	v24 =	vadd.s32 v7, v8  }
0x173: {  	v20 =	vmul.f32 $8.000000000e+00, v16;
	v16 =	vld.idx.msk [tilespmem:v10+s12+$0x0], $0xffff;
	p3 =	por $0x1, $0x1;
	[tilespmem:s23+$0xFFFFFF00] =	vst v25;
	v25 =	vor.u32 $0x7, v24  }
.Ltmp26:
0x174: {  	[tilespmem:s23+$0xFFFFFE00] =	vst v22;
	v8 =	vmul.f32 $8.000000000e+00, v15;
	v15 =	vld.idx.msk [tilespmem:v19+s12+$0x0], $0xffff;
	v23 =	vmul.f32 $8.000000000e+00, v23;
	v13 =	vor.u32 $0x1, v24;
	(pc) =	sbr.rel @!p3 .LBB2_51-.Ltmp26, $4  }
0x175: {  	[tilespmem:s23+$0xFFFFFF80] =	vst v20;
	v12 =	vor.u32 $0x2, v24;
	v20 =	vld.idx.msk [tilespmem:v17+s12+$0x0], $0xffff;
	v10 =	vor.u32 $0x3, v24;
	v19 =	vor.u32 $0x4, v24  }
0x176: {  	v17 =	vor.u32 $0x5, v24;
	[tilespmem:s23+$0x0] =	vst v8;
	v8 =	vmul.f32 $8.000000000e+00, v11;
	v11 =	vld.idx.msk [tilespmem:v18+s12+$0x0], $0xffff;
	v29 =	vmul.f32 $8.000000000e+00, v14  }
0x177: {  	s24 =	simm.s32 $0xEA70;
	v21 =	vmul.f32 $8.000000000e+00, v9;
	v18 =	vor.u32 $0x6, v24;
	[tilespmem:s23+$0x80] =	vst v23;
	v9 =	vld.idx.msk [tilespmem:v24+s12+$0x0], $0xffff;
	v24 =	vmul.f32 $8.000000000e+00, v27  }
0x178: {  	s26 =	simm.s32 $0x10;
	v22 =	vadd.s32 $0x8, v26;
	p1 =	por $0x1, $0x1;
	s25 =	simm.s32 $0xE670;
	[tilespmem:s24+$0x180] =	vst v29;
	v14 =	vld.idx.msk [tilespmem:v25+s12+$0x0], $0xffff;
	v25 =	vmul.f32 $8.000000000e+00, v28  }
.LBB2_52:
0x179: {  	v23 =	vand.u32 $0xFFFFFFF8, v22;
	s26 =	sadd.s32 $0x8, s26;
	v26 =	vld.idx.msk [tilespmem:v13+s12+$0x0], $0xffff;
	[tilespmem:s24+$0xFFFFFE80] =	vst v24;
	v24 =	vmul.f32 $8.000000000e+00, v16  }
0x17a: {  	v23 =	vadd.s32 v7, v23;
	p3 =	slt.u32 s26, $0x38;
	v27 =	vld.idx.msk [tilespmem:v12+s12+$0x0], $0xffff;
	[tilespmem:s24+$0xFFFFFF00] =	vst v25;
	v25 =	vmul.f32 $8.000000000e+00, v15  }
0x17b: {  	v13 =	vor.u32 $0x1, v23;
	v12 =	vor.u32 $0x2, v23;
	v28 =	vor.u32 $0x7, v23;
	v16 =	vld.idx.msk [tilespmem:v10+s12+$0x0], $0xffff;
	[tilespmem:s24+$0xFFFFFF80] =	vst v24  }
.Ltmp27:
0x17c: {  	v10 =	vor.u32 $0x3, v23;
	v24 =	vor.u32 $0x5, v23;
	v15 =	vld.idx.msk [tilespmem:v19+s12+$0x0], $0xffff;
	v19 =	vor.u32 $0x4, v23;
	[tilespmem:s24+$0x0] =	vst v25;
	(pc) =	sbr.rel @p3 .LBB2_52-.Ltmp27, $4  }
0x17d: {  	v29 =	vmul.f32 $8.000000000e+00, v20;
	v25 =	vor.u32 $0x6, v23;
	v20 =	vld.idx.msk [tilespmem:v17+s12+$0x0], $0xffff;
	[tilespmem:s25+$0x100] =	vst v8;
	v8 =	vmul.f32 $8.000000000e+00, v11;
	v17 =	vmovc v24;
	s25 =	smov.u32 s24  }
0x17e: {  	v30 =	vmul.f32 $8.000000000e+00, v14;
	v11 =	vld.idx.msk [tilespmem:v18+s12+$0x0], $0xffff;
	[tilespmem:s24+$0xFFFFFE00] =	vst v21;
	v21 =	vmul.f32 $8.000000000e+00, v9;
	v18 =	vmov v25  }
0x17f: {  	v24 =	vmul.f32 $8.000000000e+00, v26;
	s24 =	sadd.s32 $0x400, s24;
	v9 =	vld.idx.msk [tilespmem:v23+s12+$0x0], $0xffff;
	[tilespmem:s25+$0x80] =	vst v29  }
0x180: {  	v22 =	vadd.s32 $0x8, v22;
	v25 =	vmul.f32 $8.000000000e+00, v27;
	v14 =	vld.idx.msk [tilespmem:v28+s12+$0x0], $0xffff;
	[tilespmem:s24+$0x180] =	vst v30  }
0x181: {  	_ = 	snop  }
0x182: {  	v22 =	vmov v21;
	v23 =	vmov v20  }
.LBB2_54:
0x183: {  	_ =	sdelay $0x1  }
0x184: {  	[tilespmem:s24+$0xFFFFFE80] =	vst @p2 v24  }
0x185: {  	[tilespmem:s24+$0xFFFFFF00] =	vst @p2 v25  }
0x186: {  	v16 =	vmul.f32 @p2 $8.000000000e+00, v16;
	v13 =	vld.idx.msk [tilespmem:v13+s12+$0x0], $0xffff;
	[tilespmem:s25+$0x100] =	vst @p1 v8  }
0x187: {  	v15 =	vmul.f32 @p2 $8.000000000e+00, v15;
	v12 =	vld.idx.msk [tilespmem:v12+s12+$0x0], $0xffff;
	[tilespmem:s24+$0xFFFFFE00] =	vst @p2 v22  }
0x188: {  	v10 =	vld.idx.msk [tilespmem:v10+s12+$0x0], $0xffff;
	[tilespmem:s24+$0xFFFFFF80] =	vst @p2 v16;
	v16 =	vmul.f32 @p2 $8.000000000e+00, v23  }
0x189: {  	v60 =	vld.idx.msk [tilespmem:v19+s12+$0x0], $0xffff;
	s25 =	smov.u32 @p2 s24;
	[tilespmem:s24+$0x0] =	vst @p2 v15;
	v8 =	vmul.f32 $8.000000000e+00, v14;
	s24 =	sadd.s32 @p2 $0x400, s24  }
0x18a: {  	v9 =	vmul.f32 $8.000000000e+00, v9;
	s23 =	smov.u32 @p2 s24;
	[tilespmem:s25+$0x80] =	vst @p2 v16  }
0x18b: {  	v61 =	vld.idx.msk [tilespmem:v17+s12+$0x0], $0xffff;
	[tilespmem:s23+$0x180] =	vst v8;
	v13 =	vmul.f32 $8.000000000e+00, v13  }
0x18c: {  	v8 =	vld.idx.msk [tilespmem:v18+s12+$0x0], $0xffff;
	[tilespmem:s23+$0xFFFFFE00] =	vst v9;
	v12 =	vmul.f32 $8.000000000e+00, v12  }
0x18d: {  	v10 =	vmul.f32 $8.000000000e+00, v10;
	[tilespmem:s23+$0xFFFFFE80] =	vst v13  }
0x18e: {  	v11 =	vmul.f32 @p2 $8.000000000e+00, v11;
	v62 =	vmul.f32 $8.000000000e+00, v60;
	[tilespmem:s23+$0xFFFFFF00] =	vst v12  }
0x18f: {  	p1 =	sne.s32 s21, $0x63;
	[tilespmem:s23+$0xFFFFFF80] =	vst v10  }
.Ltmp28:
0x190: {  	s30 =	sshll.u32 s21, $0x13;
	s24 =	smov.u32 @p2 s25;
	v63 =	vmul.f32 $8.000000000e+00, v61;
	v10 =	vpsel p2, v11, v0;
	[tilespmem:s23+$0x0] =	vst v62;
	(pc) =	sbr.rel @p1 .LBB2_56-.Ltmp28, $4  }
0x191: {  	[tilespmem:s24+$0x100] =	vst @p2 v10;
	s24 =	sor.u32 s5, s30;
	v8 =	vmul.f32 $8.000000000e+00, v8  }
0x192: {  	[tilespmem:s23+$0x80] =	vst v63;
	s24 =	sshrl.u32 s24, $0x3  }
0x193: {  	s31 =	sadd.s32 s3, s24;
	[tilespmem:s23+$0x100] =	vst v8  }
0x194: {  	[hbm4b:s31+s8] =	stream.strided.scatter [tilespmem:s15], [sflag:$0x3], $0x2000, s9, s8, $0x38;
	[tilespmem:$0x12400] =	vst v63  }
.Ltmp29:
0x195: {  	(pc) =	sbr.rel .LBB2_57-.Ltmp29, $4  }
0x196: {  	_ = 	snop  }
0x197: {  	_ =	swait.ge [sflag:s16], $0x4000  }
0x198: {  	[sflag:s16] =	ssyncset.done $0x0  }
0x199: {  	[sflag:s16] =	ssyncadd.s32 $0xFFFFC000  }
.LBB2_56:
0x19a: {  	s23 =	sshll.u32 s21, $0x8  }
0x19b: {  	s23 =	sand.u32 $0x3FFFFF00, s23  }
.Ltmp30:
0x19c: {  	s23 =	sadd.s32 $0x100, s23;
	(pc) =	sbr.rel @p0 .LBB2_58-.Ltmp30, $4  }
0x19d: {  	[tilespmem:s12], [sflag:$0x1] =	stream.indirect.gather [hbm4b:s1+s11], $0x80, s23, s11, $0xb8;
	[tilespmem:$0x12400] =	vst v63  }
0x19e: {  	_ =	swait.ge [sflag:s16], $0x4000  }
0x19f: {  	[sflag:s16] =	ssyncset.done $0x0  }
0x1a0: {  	[sflag:s16] =	ssyncadd.s32 $0xFFFFC000  }
.LBB2_57:
0x1a1: {  	_ =	swait.ge [sflag:s17], $0x2000  }
0x1a2: {  	[sflag:s17] =	ssyncset.done $0x0  }
0x1a3: {  	[sflag:s17] =	ssyncadd.s32 $0xFFFFE000  }
.LBB2_58:
0x1a4: {  	v8 =	vimm.s32 $0x0  }
0x1a5: {  	v11 =	vand.u32 $0xFFFFFFF8, v8  }
0x1a6: {  	v9 =	vadd.s32 v0, v11  }
0x1a7: {  	v10 =	vor.u32 $0x7, v9  }
0x1a8: {  	v12 =	vor.u32 $0x1, v9  }
0x1a9: {  	v13 =	vor.u32 $0x2, v9  }
0x1aa: {  	v14 =	vor.u32 $0x3, v9  }
0x1ab: {  	v15 =	vor.u32 $0x4, v9;
	v16 =	vld.idx.msk [tilespmem:v9+s13+$0x0], $0xffff  }
0x1ac: {  	v8 =	vadd.s32 $0x8, v8;
	v17 =	vor.u32 $0x5, v9;
	v10 =	vld.idx.msk [tilespmem:v10+s13+$0x0], $0xffff  }
0x1ad: {  	v18 =	vor.u32 $0x6, v9;
	v9 =	vand.u32 $0xFFFFFFF8, v8;
	v12 =	vld.idx.msk [tilespmem:v12+s13+$0x0], $0xffff  }
0x1ae: {  	v19 =	vadd.s32 v0, v9;
	v13 =	vld.idx.msk [tilespmem:v13+s13+$0x0], $0xffff  }
0x1af: {  	v14 =	vld.idx.msk [tilespmem:v14+s13+$0x0], $0xffff;
	v20 =	vor.u32 $0x7, v19  }
0x1b0: {  	v15 =	vld.idx.msk [tilespmem:v15+s13+$0x0], $0xffff;
	v21 =	vor.u32 $0x1, v19  }
0x1b1: {  	v25 =	vld.idx.msk [tilespmem:v17+s13+$0x0], $0xffff;
	v22 =	vor.u32 $0x2, v19  }
0x1b2: {  	v26 =	vld.idx.msk [tilespmem:v18+s13+$0x0], $0xffff;
	v17 =	vor.u32 $0x3, v19  }
0x1b3: {  	v18 =	vor.u32 $0x4, v19;
	v10 =	vmul.f32 $8.000000000e+00, v10;
	v27 =	vld.idx.msk [tilespmem:v19+s13+$0x0], $0xffff  }
0x1b4: {  	s23 =	simm.s32 $0x10600;
	v8 =	vadd.s32 $0x8, v8;
	v28 =	vor.u32 $0x5, v19;
	v12 =	vmul.f32 $8.000000000e+00, v12;
	v20 =	vld.idx.msk [tilespmem:v20+s13+$0x0], $0xffff  }
0x1b5: {  	v29 =	vor.u32 $0x6, v19;
	v13 =	vmul.f32 $8.000000000e+00, v13;
	v30 =	vld.idx.msk [tilespmem:v21+s13+$0x0], $0xffff;
	[tilespmem:s23+$0x180] =	vst v10;
	v10 =	vand.u32 $0xFFFFFFF8, v8  }
0x1b6: {  	v25 =	vmul.f32 $8.000000000e+00, v25;
	v32 =	vld.idx.msk [tilespmem:v22+s13+$0x0], $0xffff;
	[tilespmem:s23+$0xFFFFFE80] =	vst v12;
	v31 =	vadd.s32 v0, v10  }
0x1b7: {  	v23 =	vld.idx.msk [tilespmem:v17+s13+$0x0], $0xffff;
	v12 =	vmul.f32 $8.000000000e+00, v14;
	[tilespmem:s23+$0xFFFFFF00] =	vst v13;
	v33 =	vor.u32 $0x7, v31  }
0x1b8: {  	v24 =	vld.idx.msk [tilespmem:v18+s13+$0x0], $0xffff;
	v13 =	vmul.f32 $8.000000000e+00, v15;
	[tilespmem:s23+$0x80] =	vst v25;
	v22 =	vor.u32 $0x1, v31  }
0x1b9: {  	v21 =	vmul.f32 $8.000000000e+00, v26;
	v15 =	vmul.f32 $8.000000000e+00, v16;
	v16 =	vld.idx.msk [tilespmem:v28+s13+$0x0], $0xffff;
	[tilespmem:s23+$0xFFFFFF80] =	vst v12;
	v19 =	vor.u32 $0x2, v31  }
0x1ba: {  	v26 =	vadd.s32 $0x8, v8;
	v17 =	vor.u32 $0x3, v31;
	[tilespmem:s23+$0x0] =	vst v13;
	v12 =	vld.idx.msk [tilespmem:v29+s13+$0x0], $0xffff;
	v29 =	vmul.f32 $8.000000000e+00, v20  }
0x1bb: {  	s24 =	simm.s32 $0x10A00;
	v18 =	vor.u32 $0x4, v31;
	[tilespmem:s23+$0xFFFFFE00] =	vst v15;
	v20 =	vmul.f32 $8.000000000e+00, v27;
	v27 =	vmul.f32 $8.000000000e+00, v30;
	v13 =	vld.idx.msk [tilespmem:v31+s13+$0x0], $0xffff  }
0x1bc: {  	s25 =	simm.s32 $0x10;
	v14 =	vor.u32 $0x5, v31;
	v15 =	vor.u32 $0x6, v31;
	v28 =	vmul.f32 $8.000000000e+00, v32;
	[tilespmem:s24+$0x180] =	vst v29;
	v25 =	vld.idx.msk [tilespmem:v33+s13+$0x0], $0xffff  }
.LBB2_59:
0x1bd: {  	v29 =	vand.u32 $0xFFFFFFF8, v26;
	s25 =	sadd.s32 $0x8, s25;
	v30 =	vld.idx.msk [tilespmem:v22+s13+$0x0], $0xffff;
	[tilespmem:s24+$0xFFFFFE80] =	vst v27;
	v27 =	vmul.f32 $8.000000000e+00, v23  }
0x1be: {  	v29 =	vadd.s32 v0, v29;
	p0 =	slt.u32 s25, $0x38;
	v31 =	vld.idx.msk [tilespmem:v19+s13+$0x0], $0xffff;
	[tilespmem:s24+$0xFFFFFF00] =	vst v28;
	v28 =	vmul.f32 $8.000000000e+00, v24  }
0x1bf: {  	v22 =	vor.u32 $0x1, v29;
	v19 =	vor.u32 $0x2, v29;
	v32 =	vor.u32 $0x7, v29;
	v23 =	vld.idx.msk [tilespmem:v17+s13+$0x0], $0xffff;
	[tilespmem:s24+$0xFFFFFF80] =	vst v27  }
.Ltmp31:
0x1c0: {  	v17 =	vor.u32 $0x3, v29;
	v27 =	vor.u32 $0x5, v29;
	v24 =	vld.idx.msk [tilespmem:v18+s13+$0x0], $0xffff;
	v18 =	vor.u32 $0x4, v29;
	[tilespmem:s24+$0x0] =	vst v28;
	(pc) =	sbr.rel @p0 .LBB2_59-.Ltmp31, $4  }
0x1c1: {  	v33 =	vmul.f32 $8.000000000e+00, v16;
	v28 =	vor.u32 $0x6, v29;
	v16 =	vld.idx.msk [tilespmem:v14+s13+$0x0], $0xffff;
	[tilespmem:s23+$0x100] =	vst v21;
	v21 =	vmul.f32 $8.000000000e+00, v12;
	v14 =	vmovc v27;
	s23 =	smov.u32 s24  }
0x1c2: {  	v34 =	vmul.f32 $8.000000000e+00, v25;
	v12 =	vld.idx.msk [tilespmem:v15+s13+$0x0], $0xffff;
	[tilespmem:s24+$0xFFFFFE00] =	vst v20;
	v20 =	vmul.f32 $8.000000000e+00, v13;
	v15 =	vmov v28  }
0x1c3: {  	v27 =	vmul.f32 $8.000000000e+00, v30;
	s24 =	sadd.s32 $0x400, s24;
	v13 =	vld.idx.msk [tilespmem:v29+s13+$0x0], $0xffff;
	[tilespmem:s23+$0x80] =	vst v33  }
0x1c4: {  	v26 =	vadd.s32 $0x8, v26;
	v28 =	vmul.f32 $8.000000000e+00, v31;
	v25 =	vld.idx.msk [tilespmem:v32+s13+$0x0], $0xffff;
	[tilespmem:s24+$0x180] =	vst v34  }
0x1c5: {  	_ = 	snop  }
0x1c6: {  	[tilespmem:s24+$0xFFFFFE80] =	vst v27  }
0x1c7: {  	[tilespmem:s23+$0x100] =	vst v21  }
0x1c8: {  	v23 =	vmul.f32 $8.000000000e+00, v23;
	[tilespmem:s24+$0xFFFFFE00] =	vst v20  }
0x1c9: {  	v22 =	vld.idx.msk [tilespmem:v22+s13+$0x0], $0xffff;
	v24 =	vmul.f32 $8.000000000e+00, v24;
	[tilespmem:s24+$0xFFFFFF00] =	vst v28  }
0x1ca: {  	v19 =	vld.idx.msk [tilespmem:v19+s13+$0x0], $0xffff;
	v16 =	vmul.f32 $8.000000000e+00, v16;
	[tilespmem:s24+$0xFFFFFF80] =	vst v23  }
0x1cb: {  	v17 =	vld.idx.msk [tilespmem:v17+s13+$0x0], $0xffff;
	[tilespmem:s24+$0x0] =	vst v24;
	v12 =	vmul.f32 $8.000000000e+00, v12  }
0x1cc: {  	v14 =	vld.idx.msk [tilespmem:v14+s13+$0x0], $0xffff;
	[tilespmem:s24+$0x80] =	vst v16;
	v13 =	vmul.f32 $8.000000000e+00, v13  }
0x1cd: {  	s31 =	sadd.s32 $0x400, s24;
	v15 =	vld.idx.msk [tilespmem:v15+s13+$0x0], $0xffff;
	v21 =	vmul.f32 $8.000000000e+00, v25;
	[tilespmem:s24+$0x100] =	vst v12  }
0x1ce: {  	v18 =	vld.idx.msk [tilespmem:v18+s13+$0x0], $0xffff;
	v20 =	vmul.f32 $8.000000000e+00, v22;
	[tilespmem:s31+$0xFFFFFE00] =	vst v13  }
0x1cf: {  	v16 =	vmul.f32 $8.000000000e+00, v19;
	[tilespmem:s31+$0x180] =	vst v21  }
0x1d0: {  	v17 =	vmul.f32 $8.000000000e+00, v17;
	[tilespmem:s31+$0xFFFFFE80] =	vst v20  }
0x1d1: {  	v11 =	vadd.s32 v1, v11;
	v14 =	vmul.f32 $8.000000000e+00, v14;
	[tilespmem:s31+$0xFFFFFF00] =	vst v16  }
0x1d2: {  	v12 =	vor.u32 $0x7, v11;
	v15 =	vmul.f32 $8.000000000e+00, v15;
	[tilespmem:s31+$0xFFFFFF80] =	vst v17  }
0x1d3: {  	v13 =	vor.u32 $0x1, v11;
	v16 =	vmul.f32 $8.000000000e+00, v18;
	[tilespmem:s31+$0x80] =	vst v14  }
0x1d4: {  	v9 =	vadd.s32 v1, v9;
	[tilespmem:s31+$0x100] =	vst v15  }
0x1d5: {  	v19 =	vor.u32 $0x7, v9;
	[tilespmem:s31+$0x0] =	vst v16  }
0x1d6: {  	v14 =	vor.u32 $0x2, v11;
	v17 =	vld.idx.msk [tilespmem:v11+s13+$0x0], $0xffff  }
0x1d7: {  	v18 =	vor.u32 $0x5, v11;
	v12 =	vld.idx.msk [tilespmem:v12+s13+$0x0], $0xffff  }
0x1d8: {  	v15 =	vor.u32 $0x3, v11;
	v13 =	vld.idx.msk [tilespmem:v13+s13+$0x0], $0xffff  }
0x1d9: {  	v16 =	vor.u32 $0x4, v11;
	v24 =	vld.idx.msk [tilespmem:v9+s13+$0x0], $0xffff  }
0x1da: {  	v11 =	vor.u32 $0x6, v11;
	v26 =	vld.idx.msk [tilespmem:v19+s13+$0x0], $0xffff  }
0x1db: {  	v20 =	vor.u32 $0x1, v9;
	v14 =	vld.idx.msk [tilespmem:v14+s13+$0x0], $0xffff  }
0x1dc: {  	v22 =	vor.u32 $0x3, v9;
	v18 =	vld.idx.msk [tilespmem:v18+s13+$0x0], $0xffff  }
0x1dd: {  	v10 =	vadd.s32 v1, v10;
	v21 =	vor.u32 $0x2, v9;
	v15 =	vld.idx.msk [tilespmem:v15+s13+$0x0], $0xffff  }
0x1de: {  	v29 =	vor.u32 $0x7, v10;
	v16 =	vld.idx.msk [tilespmem:v16+s13+$0x0], $0xffff;
	v12 =	vmul.f32 $8.000000000e+00, v12  }
0x1df: {  	s23 =	simm.s32 $0x10610;
	v23 =	vld.idx.msk [tilespmem:v11+s13+$0x0], $0xffff;
	v11 =	vor.u32 $0x4, v9;
	v13 =	vmul.f32 $8.000000000e+00, v13  }
0x1e0: {  	v25 =	vor.u32 $0x5, v9;
	v27 =	vld.idx.msk [tilespmem:v20+s13+$0x0], $0xffff;
	v17 =	vmul.f32 $8.000000000e+00, v17;
	[tilespmem:s23+$0x180] =	vst v12  }
0x1e1: {  	v20 =	vld.idx.msk [tilespmem:v22+s13+$0x0], $0xffff;
	v9 =	vor.u32 $0x6, v9;
	[tilespmem:s23+$0xFFFFFE80] =	vst v13;
	v22 =	vmul.f32 $8.000000000e+00, v18  }
0x1e2: {  	v28 =	vld.idx.msk [tilespmem:v21+s13+$0x0], $0xffff;
	v14 =	vmul.f32 $8.000000000e+00, v14;
	[tilespmem:s23+$0xFFFFFE00] =	vst v17  }
0x1e3: {  	v19 =	vor.u32 $0x1, v10;
	v13 =	vmul.f32 $8.000000000e+00, v16;
	[tilespmem:s23+$0x80] =	vst v22;
	v22 =	vld.idx.msk [tilespmem:v29+s13+$0x0], $0xffff  }
0x1e4: {  	v8 =	vadd.s32 $0x8, v8;
	v12 =	vmul.f32 $8.000000000e+00, v15;
	[tilespmem:s23+$0xFFFFFF00] =	vst v14;
	v16 =	vor.u32 $0x2, v10;
	v21 =	vld.idx.msk [tilespmem:v11+s13+$0x0], $0xffff  }
0x1e5: {  	v17 =	vmul.f32 $8.000000000e+00, v24;
	v14 =	vor.u32 $0x3, v10;
	[tilespmem:s23+$0x0] =	vst v13;
	v13 =	vld.idx.msk [tilespmem:v25+s13+$0x0], $0xffff;
	v25 =	vmul.f32 $8.000000000e+00, v26  }
0x1e6: {  	s24 =	simm.s32 $0x10A10;
	v15 =	vor.u32 $0x4, v10;
	[tilespmem:s23+$0xFFFFFF80] =	vst v12;
	v9 =	vld.idx.msk [tilespmem:v9+s13+$0x0], $0xffff;
	v18 =	vmul.f32 $8.000000000e+00, v23;
	v23 =	vmul.f32 $8.000000000e+00, v27  }
0x1e7: {  	s25 =	simm.s32 $0x10;
	v24 =	vmul.f32 $8.000000000e+00, v28;
	v12 =	vor.u32 $0x6, v10;
	v11 =	vor.u32 $0x5, v10;
	v10 =	vld.idx.msk [tilespmem:v10+s13+$0x0], $0xffff;
	[tilespmem:s24+$0x180] =	vst v25  }
.LBB2_61:
0x1e8: {  	v25 =	vand.u32 $0xFFFFFFF8, v8;
	s25 =	sadd.s32 $0x8, s25;
	v26 =	vld.idx.msk [tilespmem:v19+s13+$0x0], $0xffff;
	[tilespmem:s24+$0xFFFFFE80] =	vst v23;
	v23 =	vmul.f32 $8.000000000e+00, v20  }
0x1e9: {  	v25 =	vadd.s32 v1, v25;
	p0 =	slt.u32 s25, $0x38;
	v27 =	vld.idx.msk [tilespmem:v16+s13+$0x0], $0xffff;
	[tilespmem:s24+$0xFFFFFF00] =	vst v24;
	v24 =	vmul.f32 $8.000000000e+00, v21  }
0x1ea: {  	v19 =	vor.u32 $0x1, v25;
	v16 =	vor.u32 $0x2, v25;
	v28 =	vor.u32 $0x7, v25;
	v20 =	vld.idx.msk [tilespmem:v14+s13+$0x0], $0xffff;
	[tilespmem:s24+$0xFFFFFF80] =	vst v23  }
.Ltmp32:
0x1eb: {  	v14 =	vor.u32 $0x3, v25;
	v23 =	vor.u32 $0x5, v25;
	v21 =	vld.idx.msk [tilespmem:v15+s13+$0x0], $0xffff;
	v15 =	vor.u32 $0x4, v25;
	[tilespmem:s24+$0x0] =	vst v24;
	(pc) =	sbr.rel @p0 .LBB2_61-.Ltmp32, $4  }
0x1ec: {  	v29 =	vmul.f32 $8.000000000e+00, v13;
	v24 =	vor.u32 $0x6, v25;
	v13 =	vld.idx.msk [tilespmem:v11+s13+$0x0], $0xffff;
	[tilespmem:s23+$0x100] =	vst v18;
	v18 =	vmul.f32 $8.000000000e+00, v9;
	v11 =	vmovc v23;
	s23 =	smov.u32 s24  }
0x1ed: {  	v30 =	vmul.f32 $8.000000000e+00, v22;
	v9 =	vld.idx.msk [tilespmem:v12+s13+$0x0], $0xffff;
	[tilespmem:s24+$0xFFFFFE00] =	vst v17;
	v17 =	vmul.f32 $8.000000000e+00, v10;
	v12 =	vmov v24  }
0x1ee: {  	v23 =	vmul.f32 $8.000000000e+00, v26;
	s24 =	sadd.s32 $0x400, s24;
	v10 =	vld.idx.msk [tilespmem:v25+s13+$0x0], $0xffff;
	[tilespmem:s23+$0x80] =	vst v29  }
0x1ef: {  	v8 =	vadd.s32 $0x8, v8;
	v24 =	vmul.f32 $8.000000000e+00, v27;
	v22 =	vld.idx.msk [tilespmem:v28+s13+$0x0], $0xffff;
	[tilespmem:s24+$0x180] =	vst v30  }
0x1f0: {  	_ =	sdelay $0x2  }
0x1f1: {  	[tilespmem:s24+$0xFFFFFE80] =	vst v23  }
0x1f2: {  	v8 =	vmul.f32 $8.000000000e+00, v20;
	v19 =	vld.idx.msk [tilespmem:v19+s13+$0x0], $0xffff;
	[tilespmem:s23+$0x100] =	vst v18  }
0x1f3: {  	v16 =	vld.idx.msk [tilespmem:v16+s13+$0x0], $0xffff;
	[tilespmem:s24+$0xFFFFFE00] =	vst v17  }
0x1f4: {  	v20 =	vmul.f32 $8.000000000e+00, v21;
	[tilespmem:s24+$0xFFFFFF80] =	vst v8;
	v8 =	vld.idx.msk [tilespmem:v14+s13+$0x0], $0xffff  }
0x1f5: {  	[tilespmem:s24+$0xFFFFFF00] =	vst v24;
	v13 =	vmul.f32 $8.000000000e+00, v13;
	v14 =	vld.idx.msk [tilespmem:v15+s13+$0x0], $0xffff  }
0x1f6: {  	[tilespmem:s24+$0x0] =	vst v20;
	v15 =	vmul.f32 $8.000000000e+00, v22  }
0x1f7: {  	s31 =	sadd.s32 $0x400, s24;
	[tilespmem:s24+$0x80] =	vst v13;
	v17 =	vmul.f32 $8.000000000e+00, v19  }
0x1f8: {  	v11 =	vld.idx.msk [tilespmem:v11+s13+$0x0], $0xffff;
	v13 =	vmul.f32 $8.000000000e+00, v16;
	[tilespmem:s31+$0x180] =	vst v15  }
0x1f9: {  	v12 =	vld.idx.msk [tilespmem:v12+s13+$0x0], $0xffff;
	[tilespmem:s31+$0xFFFFFE80] =	vst v17;
	v8 =	vmul.f32 $8.000000000e+00, v8  }
0x1fa: {  	v18 =	vimm.s32 $0x0;
	[tilespmem:s31+$0xFFFFFF00] =	vst v13;
	v13 =	vmul.f32 $8.000000000e+00, v14  }
0x1fb: {  	v14 =	vmul.f32 $8.000000000e+00, v9;
	v9 =	vand.u32 $0xFFFFFFF8, v18;
	[tilespmem:s31+$0xFFFFFF80] =	vst v8  }
0x1fc: {  	v8 =	vmul.f32 $8.000000000e+00, v10;
	[tilespmem:s31+$0x0] =	vst v13;
	v13 =	vadd.s32 v2, v9  }
0x1fd: {  	p1 =	por $0x1, $0x1;
	v10 =	vmul.f32 $8.000000000e+00, v11;
	[tilespmem:s24+$0x100] =	vst v14;
	v15 =	vor.u32 $0x7, v13  }
.Ltmp33:
0x1fe: {  	v11 =	vmul.f32 $8.000000000e+00, v12;
	[tilespmem:s31+$0xFFFFFE00] =	vst v8;
	(pc) =	sbr.rel @!p1 .LBB2_63-.Ltmp33, $4  }
0x1ff: {  	[tilespmem:s31+$0x80] =	vst v10  }
0x200: {  	v14 =	vor.u32 $0x1, v13;
	[tilespmem:s31+$0x100] =	vst v11  }
0x201: {  	v12 =	vor.u32 $0x2, v13;
	v20 =	vor.u32 $0x4, v13;
	v16 =	vor.u32 $0x5, v13;
	v10 =	vld.idx.msk [tilespmem:v13+s13+$0x0], $0xffff  }
0x202: {  	s23 =	simm.s32 $0x10620;
	p2 =	por $0x0, $0x0;
	p0 =	por $0x0, $0x0;
	v17 =	vor.u32 $0x6, v13;
	v11 =	vor.u32 $0x3, v13;
	v8 =	vadd.s32 $0x8, v18;
	v15 =	vld.idx.msk [tilespmem:v15+s13+$0x0], $0xffff  }
0x203: {  	_ =	sdelay $0x3  }
0x204: {  	v13 =	vand.u32 $0xFFFFFFF8, v8;
	v21 =	vld.idx.msk [tilespmem:v14+s13+$0x0], $0xffff  }
0x205: {  	v23 =	vld.idx.msk [tilespmem:v12+s13+$0x0], $0xffff;
	v22 =	vadd.s32 v2, v13  }
0x206: {  	v19 =	vld.idx.msk [tilespmem:v11+s13+$0x0], $0xffff;
	p3 =	por $0x1, $0x1;
	v27 =	vor.u32 $0x7, v22  }
.Ltmp34:
0x207: {  	v18 =	vld.idx.msk [tilespmem:v20+s13+$0x0], $0xffff;
	(pc) =	sbr.rel @!p3 .LBB2_65-.Ltmp34, $4  }
0x208: {  	v25 =	vld.idx.msk [tilespmem:v16+s13+$0x0], $0xffff;
	v28 =	vadd.s32 $0x8, v8;
	v14 =	vor.u32 $0x1, v22  }
0x209: {  	v13 =	vld.idx.msk [tilespmem:v17+s13+$0x0], $0xffff;
	v12 =	vor.u32 $0x2, v22;
	v11 =	vor.u32 $0x3, v22;
	v29 =	vmul.f32 $8.000000000e+00, v15  }
0x20a: {  	v20 =	vor.u32 $0x4, v22;
	v16 =	vor.u32 $0x5, v22;
	v24 =	vmul.f32 $8.000000000e+00, v10;
	v10 =	vld.idx.msk [tilespmem:v22+s13+$0x0], $0xffff  }
0x20b: {  	p2 =	por $0x1, $0x1;
	v17 =	vor.u32 $0x6, v22;
	v26 =	vmul.f32 $8.000000000e+00, v21;
	[tilespmem:s23+$0x180] =	vst v29;
	v15 =	vld.idx.msk [tilespmem:v27+s13+$0x0], $0xffff;
	v27 =	vmul.f32 $8.000000000e+00, v23  }
0x20c: {  	_ =	sdelay $0x3  }
0x20d: {  	v21 =	vand.u32 $0xFFFFFFF8, v28;
	v29 =	vld.idx.msk [tilespmem:v14+s13+$0x0], $0xffff  }
0x20e: {  	v30 =	vld.idx.msk [tilespmem:v12+s13+$0x0], $0xffff;
	[tilespmem:s23+$0xFFFFFE80] =	vst v26;
	v26 =	vadd.s32 v2, v21  }
0x20f: {  	v22 =	vmul.f32 $8.000000000e+00, v19;
	v19 =	vld.idx.msk [tilespmem:v11+s13+$0x0], $0xffff;
	p4 =	por $0x1, $0x1;
	[tilespmem:s23+$0xFFFFFF00] =	vst v27;
	v27 =	vor.u32 $0x7, v26  }
.Ltmp35:
0x210: {  	[tilespmem:s23+$0xFFFFFE00] =	vst v24;
	v21 =	vmul.f32 $8.000000000e+00, v18;
	v18 =	vld.idx.msk [tilespmem:v20+s13+$0x0], $0xffff;
	v25 =	vmul.f32 $8.000000000e+00, v25;
	v14 =	vor.u32 $0x1, v26;
	(pc) =	sbr.rel @!p4 .LBB2_67-.Ltmp35, $4  }
0x211: {  	[tilespmem:s23+$0xFFFFFF80] =	vst v22;
	v12 =	vor.u32 $0x2, v26;
	v22 =	vld.idx.msk [tilespmem:v16+s13+$0x0], $0xffff;
	v11 =	vor.u32 $0x3, v26;
	v20 =	vor.u32 $0x4, v26  }
0x212: {  	v16 =	vor.u32 $0x5, v26;
	[tilespmem:s23+$0x0] =	vst v21;
	v21 =	vmul.f32 $8.000000000e+00, v13;
	v13 =	vld.idx.msk [tilespmem:v17+s13+$0x0], $0xffff;
	v31 =	vmul.f32 $8.000000000e+00, v15  }
0x213: {  	s24 =	simm.s32 $0x10A20;
	v23 =	vmul.f32 $8.000000000e+00, v10;
	v17 =	vor.u32 $0x6, v26;
	[tilespmem:s23+$0x80] =	vst v25;
	v10 =	vld.idx.msk [tilespmem:v26+s13+$0x0], $0xffff;
	v26 =	vmul.f32 $8.000000000e+00, v29  }
0x214: {  	s26 =	simm.s32 $0x10;
	v24 =	vadd.s32 $0x8, v28;
	p3 =	por $0x1, $0x1;
	s25 =	simm.s32 $0x10620;
	[tilespmem:s24+$0x180] =	vst v31;
	v15 =	vld.idx.msk [tilespmem:v27+s13+$0x0], $0xffff;
	v27 =	vmul.f32 $8.000000000e+00, v30  }
.LBB2_68:
0x215: {  	v25 =	vand.u32 $0xFFFFFFF8, v24;
	s26 =	sadd.s32 $0x8, s26;
	v28 =	vld.idx.msk [tilespmem:v14+s13+$0x0], $0xffff;
	[tilespmem:s24+$0xFFFFFE80] =	vst v26;
	v26 =	vmul.f32 $8.000000000e+00, v19  }
0x216: {  	v25 =	vadd.s32 v2, v25;
	p4 =	slt.u32 s26, $0x38;
	v29 =	vld.idx.msk [tilespmem:v12+s13+$0x0], $0xffff;
	[tilespmem:s24+$0xFFFFFF00] =	vst v27;
	v27 =	vmul.f32 $8.000000000e+00, v18  }
0x217: {  	v14 =	vor.u32 $0x1, v25;
	v12 =	vor.u32 $0x2, v25;
	v30 =	vor.u32 $0x7, v25;
	v19 =	vld.idx.msk [tilespmem:v11+s13+$0x0], $0xffff;
	[tilespmem:s24+$0xFFFFFF80] =	vst v26  }
.Ltmp36:
0x218: {  	v11 =	vor.u32 $0x3, v25;
	v26 =	vor.u32 $0x5, v25;
	v18 =	vld.idx.msk [tilespmem:v20+s13+$0x0], $0xffff;
	v20 =	vor.u32 $0x4, v25;
	[tilespmem:s24+$0x0] =	vst v27;
	(pc) =	sbr.rel @p4 .LBB2_68-.Ltmp36, $4  }
0x219: {  	v31 =	vmul.f32 $8.000000000e+00, v22;
	v27 =	vor.u32 $0x6, v25;
	v22 =	vld.idx.msk [tilespmem:v16+s13+$0x0], $0xffff;
	[tilespmem:s25+$0x100] =	vst v21;
	v21 =	vmul.f32 $8.000000000e+00, v13;
	v16 =	vmovc v26;
	s25 =	smov.u32 s24  }
0x21a: {  	v32 =	vmul.f32 $8.000000000e+00, v15;
	v13 =	vld.idx.msk [tilespmem:v17+s13+$0x0], $0xffff;
	[tilespmem:s24+$0xFFFFFE00] =	vst v23;
	v23 =	vmul.f32 $8.000000000e+00, v10;
	v17 =	vmov v27  }
0x21b: {  	v26 =	vmul.f32 $8.000000000e+00, v28;
	s24 =	sadd.s32 $0x400, s24;
	v10 =	vld.idx.msk [tilespmem:v25+s13+$0x0], $0xffff;
	[tilespmem:s25+$0x80] =	vst v31  }
0x21c: {  	v24 =	vadd.s32 $0x8, v24;
	v27 =	vmul.f32 $8.000000000e+00, v29;
	v15 =	vld.idx.msk [tilespmem:v30+s13+$0x0], $0xffff;
	[tilespmem:s24+$0x180] =	vst v32  }
0x21d: {  	_ = 	snop  }
0x21e: {  	v24 =	vmov v23;
	v25 =	vmov v22  }
.LBB2_70:
0x21f: {  	_ =	sdelay $0x1  }
0x220: {  	[tilespmem:s24+$0xFFFFFE80] =	vst @p2 v26  }
0x221: {  	[tilespmem:s24+$0xFFFFFF00] =	vst @p2 v27  }
0x222: {  	v19 =	vmul.f32 @p2 $8.000000000e+00, v19;
	v14 =	vld.idx.msk [tilespmem:v14+s13+$0x0], $0xffff;
	[tilespmem:s25+$0x100] =	vst @p3 v21  }
0x223: {  	v18 =	vmul.f32 @p2 $8.000000000e+00, v18;
	v12 =	vld.idx.msk [tilespmem:v12+s13+$0x0], $0xffff;
	[tilespmem:s24+$0xFFFFFE00] =	vst @p2 v24  }
0x224: {  	v11 =	vld.idx.msk [tilespmem:v11+s13+$0x0], $0xffff;
	[tilespmem:s24+$0xFFFFFF80] =	vst @p2 v19;
	v19 =	vmul.f32 @p2 $8.000000000e+00, v25  }
0x225: {  	s25 =	smov.u32 @p2 s24;
	[tilespmem:s24+$0x0] =	vst @p2 v18;
	v15 =	vmul.f32 $8.000000000e+00, v15;
	s24 =	sadd.s32 @p2 $0x400, s24  }
0x226: {  	v10 =	vmul.f32 $8.000000000e+00, v10;
	v18 =	vld.idx.msk [tilespmem:v20+s13+$0x0], $0xffff;
	s23 =	smov.u32 @p2 s24;
	[tilespmem:s25+$0x80] =	vst @p2 v19  }
0x227: {  	v16 =	vld.idx.msk [tilespmem:v16+s13+$0x0], $0xffff;
	[tilespmem:s23+$0x180] =	vst v15;
	v14 =	vmul.f32 $8.000000000e+00, v14  }
0x228: {  	v15 =	vld.idx.msk [tilespmem:v17+s13+$0x0], $0xffff;
	[tilespmem:s23+$0xFFFFFE00] =	vst v10;
	v12 =	vmul.f32 $8.000000000e+00, v12  }
0x229: {  	v13 =	vmul.f32 @p2 $8.000000000e+00, v13;
	v11 =	vmul.f32 $8.000000000e+00, v11;
	[tilespmem:s23+$0xFFFFFE80] =	vst v14  }
0x22a: {  	[tilespmem:s23+$0xFFFFFF00] =	vst v12  }
0x22b: {  	s24 =	smov.u32 @p2 s25;
	v12 =	vmul.f32 $8.000000000e+00, v18;
	[tilespmem:s23+$0xFFFFFF80] =	vst v11;
	v11 =	vpsel p2, v13, v0;
	v14 =	vadd.s32 v3, v9  }
0x22c: {  	v9 =	vmul.f32 $8.000000000e+00, v16;
	[tilespmem:s24+$0x100] =	vst @p2 v11;
	v11 =	vor.u32 $0x7, v14  }
.Ltmp37:
0x22d: {  	[tilespmem:s23+$0x0] =	vst v12;
	v12 =	vmul.f32 $8.000000000e+00, v15;
	(pc) =	sbr.rel @!p1 .LBB2_71-.Ltmp37, $4  }
0x22e: {  	[tilespmem:s23+$0x80] =	vst v9  }
0x22f: {  	[tilespmem:s23+$0x100] =	vst v12  }
0x230: {  	v13 =	vor.u32 $0x1, v14;
	v19 =	vor.u32 $0x4, v14;
	v17 =	vor.u32 $0x5, v14;
	v10 =	vld.idx.msk [tilespmem:v14+s13+$0x0], $0xffff  }
0x231: {  	v18 =	vor.u32 $0x6, v14;
	v9 =	vor.u32 $0x3, v14;
	v12 =	vor.u32 $0x2, v14;
	s23 =	simm.s32 $0x10630;
	v14 =	vld.idx.msk [tilespmem:v11+s13+$0x0], $0xffff  }
0x232: {  	_ =	sdelay $0x3  }
0x233: {  	v11 =	vand.u32 $0xFFFFFFF8, v8;
	v20 =	vld.idx.msk [tilespmem:v13+s13+$0x0], $0xffff  }
0x234: {  	v25 =	vld.idx.msk [tilespmem:v12+s13+$0x0], $0xffff;
	v21 =	vadd.s32 v3, v11  }
0x235: {  	v16 =	vld.idx.msk [tilespmem:v9+s13+$0x0], $0xffff;
	p2 =	por $0x1, $0x1;
	v26 =	vor.u32 $0x7, v21  }
.Ltmp38:
0x236: {  	v15 =	vld.idx.msk [tilespmem:v19+s13+$0x0], $0xffff;
	(pc) =	sbr.rel @!p2 .LBB2_73-.Ltmp38, $4  }
0x237: {  	v23 =	vld.idx.msk [tilespmem:v17+s13+$0x0], $0xffff;
	v13 =	vor.u32 $0x1, v21;
	v12 =	vor.u32 $0x2, v21  }
0x238: {  	v11 =	vld.idx.msk [tilespmem:v18+s13+$0x0], $0xffff;
	v9 =	vor.u32 $0x3, v21;
	v19 =	vor.u32 $0x4, v21;
	v27 =	vmul.f32 $8.000000000e+00, v14  }
0x239: {  	v17 =	vor.u32 $0x5, v21;
	v18 =	vor.u32 $0x6, v21;
	v22 =	vmul.f32 $8.000000000e+00, v10;
	v10 =	vld.idx.msk [tilespmem:v21+s13+$0x0], $0xffff  }
0x23a: {  	p1 =	por $0x1, $0x1;
	v24 =	vmul.f32 $8.000000000e+00, v20;
	v25 =	vmul.f32 $8.000000000e+00, v25;
	[tilespmem:s23+$0x180] =	vst v27;
	v14 =	vld.idx.msk [tilespmem:v26+s13+$0x0], $0xffff;
	v26 =	vadd.s32 $0x8, v8  }
0x23b: {  	_ =	sdelay $0x3  }
0x23c: {  	v8 =	vand.u32 $0xFFFFFFF8, v26;
	v27 =	vld.idx.msk [tilespmem:v13+s13+$0x0], $0xffff  }
0x23d: {  	v28 =	vld.idx.msk [tilespmem:v12+s13+$0x0], $0xffff;
	[tilespmem:s23+$0xFFFFFE80] =	vst v24;
	v24 =	vadd.s32 v3, v8  }
0x23e: {  	v20 =	vmul.f32 $8.000000000e+00, v16;
	v16 =	vld.idx.msk [tilespmem:v9+s13+$0x0], $0xffff;
	p2 =	por $0x1, $0x1;
	[tilespmem:s23+$0xFFFFFF00] =	vst v25;
	v25 =	vor.u32 $0x7, v24  }
.Ltmp39:
0x23f: {  	[tilespmem:s23+$0xFFFFFE00] =	vst v22;
	v8 =	vmul.f32 $8.000000000e+00, v15;
	v15 =	vld.idx.msk [tilespmem:v19+s13+$0x0], $0xffff;
	v23 =	vmul.f32 $8.000000000e+00, v23;
	v13 =	vor.u32 $0x1, v24;
	(pc) =	sbr.rel @!p2 .LBB2_75-.Ltmp39, $4  }
0x240: {  	[tilespmem:s23+$0xFFFFFF80] =	vst v20;
	v12 =	vor.u32 $0x2, v24;
	v20 =	vld.idx.msk [tilespmem:v17+s13+$0x0], $0xffff;
	v9 =	vor.u32 $0x3, v24;
	v19 =	vor.u32 $0x4, v24  }
0x241: {  	v17 =	vor.u32 $0x5, v24;
	[tilespmem:s23+$0x0] =	vst v8;
	v8 =	vmul.f32 $8.000000000e+00, v11;
	v11 =	vld.idx.msk [tilespmem:v18+s13+$0x0], $0xffff;
	v29 =	vmul.f32 $8.000000000e+00, v14  }
0x242: {  	s24 =	simm.s32 $0x10A30;
	v21 =	vmul.f32 $8.000000000e+00, v10;
	v18 =	vor.u32 $0x6, v24;
	[tilespmem:s23+$0x80] =	vst v23;
	v10 =	vld.idx.msk [tilespmem:v24+s13+$0x0], $0xffff;
	v24 =	vmul.f32 $8.000000000e+00, v27  }
0x243: {  	s26 =	simm.s32 $0x10;
	v22 =	vadd.s32 $0x8, v26;
	p0 =	por $0x1, $0x1;
	s25 =	simm.s32 $0x10630;
	[tilespmem:s24+$0x180] =	vst v29;
	v14 =	vld.idx.msk [tilespmem:v25+s13+$0x0], $0xffff;
	v25 =	vmul.f32 $8.000000000e+00, v28  }
.LBB2_76:
0x244: {  	v23 =	vand.u32 $0xFFFFFFF8, v22;
	s26 =	sadd.s32 $0x8, s26;
	v26 =	vld.idx.msk [tilespmem:v13+s13+$0x0], $0xffff;
	[tilespmem:s24+$0xFFFFFE80] =	vst v24;
	v24 =	vmul.f32 $8.000000000e+00, v16  }
0x245: {  	v23 =	vadd.s32 v3, v23;
	p2 =	slt.u32 s26, $0x38;
	v27 =	vld.idx.msk [tilespmem:v12+s13+$0x0], $0xffff;
	[tilespmem:s24+$0xFFFFFF00] =	vst v25;
	v25 =	vmul.f32 $8.000000000e+00, v15  }
0x246: {  	v13 =	vor.u32 $0x1, v23;
	v12 =	vor.u32 $0x2, v23;
	v28 =	vor.u32 $0x7, v23;
	v16 =	vld.idx.msk [tilespmem:v9+s13+$0x0], $0xffff;
	[tilespmem:s24+$0xFFFFFF80] =	vst v24  }
.Ltmp40:
0x247: {  	v9 =	vor.u32 $0x3, v23;
	v24 =	vor.u32 $0x5, v23;
	v15 =	vld.idx.msk [tilespmem:v19+s13+$0x0], $0xffff;
	v19 =	vor.u32 $0x4, v23;
	[tilespmem:s24+$0x0] =	vst v25;
	(pc) =	sbr.rel @p2 .LBB2_76-.Ltmp40, $4  }
0x248: {  	v29 =	vmul.f32 $8.000000000e+00, v20;
	v25 =	vor.u32 $0x6, v23;
	v20 =	vld.idx.msk [tilespmem:v17+s13+$0x0], $0xffff;
	[tilespmem:s25+$0x100] =	vst v8;
	v8 =	vmul.f32 $8.000000000e+00, v11;
	v17 =	vmovc v24;
	s25 =	smov.u32 s24  }
0x249: {  	v30 =	vmul.f32 $8.000000000e+00, v14;
	v11 =	vld.idx.msk [tilespmem:v18+s13+$0x0], $0xffff;
	[tilespmem:s24+$0xFFFFFE00] =	vst v21;
	v21 =	vmul.f32 $8.000000000e+00, v10;
	v18 =	vmov v25  }
0x24a: {  	v24 =	vmul.f32 $8.000000000e+00, v26;
	s24 =	sadd.s32 $0x400, s24;
	v10 =	vld.idx.msk [tilespmem:v23+s13+$0x0], $0xffff;
	[tilespmem:s25+$0x80] =	vst v29  }
0x24b: {  	v22 =	vadd.s32 $0x8, v22;
	v25 =	vmul.f32 $8.000000000e+00, v27;
	v14 =	vld.idx.msk [tilespmem:v28+s13+$0x0], $0xffff;
	[tilespmem:s24+$0x180] =	vst v30  }
0x24c: {  	_ = 	snop  }
0x24d: {  	v22 =	vmov v21;
	v23 =	vmov v20  }
.LBB2_78:
0x24e: {  	_ =	sdelay $0x2  }
0x24f: {  	[tilespmem:s24+$0xFFFFFE80] =	vst @p1 v24  }
0x250: {  	v13 =	vld.idx.msk [tilespmem:v13+s13+$0x0], $0xffff;
	[tilespmem:s24+$0xFFFFFF00] =	vst @p1 v25  }
0x251: {  	v16 =	vmul.f32 @p1 $8.000000000e+00, v16;
	v12 =	vld.idx.msk [tilespmem:v12+s13+$0x0], $0xffff;
	[tilespmem:s25+$0x100] =	vst @p0 v8  }
0x252: {  	v15 =	vmul.f32 @p1 $8.000000000e+00, v15;
	v9 =	vld.idx.msk [tilespmem:v9+s13+$0x0], $0xffff;
	[tilespmem:s24+$0xFFFFFE00] =	vst @p1 v22  }
0x253: {  	[tilespmem:s24+$0xFFFFFF80] =	vst @p1 v16;
	v16 =	vmul.f32 @p1 $8.000000000e+00, v23  }
0x254: {  	s25 =	smov.u32 @p1 s24;
	[tilespmem:s24+$0x0] =	vst @p1 v15;
	v15 =	vld.idx.msk [tilespmem:v19+s13+$0x0], $0xffff;
	v8 =	vmul.f32 $8.000000000e+00, v14;
	s24 =	sadd.s32 @p1 $0x400, s24  }
0x255: {  	s23 =	smov.u32 @p1 s24;
	[tilespmem:s25+$0x80] =	vst @p1 v16;
	v13 =	vmul.f32 $8.000000000e+00, v13  }
0x256: {  	v14 =	vld.idx.msk [tilespmem:v17+s13+$0x0], $0xffff;
	[tilespmem:s23+$0x180] =	vst v8;
	v12 =	vmul.f32 $8.000000000e+00, v12  }
0x257: {  	v11 =	vmul.f32 @p1 $8.000000000e+00, v11;
	v8 =	vld.idx.msk [tilespmem:v18+s13+$0x0], $0xffff;
	v9 =	vmul.f32 $8.000000000e+00, v9;
	[tilespmem:s23+$0xFFFFFE80] =	vst v13  }
0x258: {  	v13 =	vimm.s32 $0x0;
	[tilespmem:s23+$0xFFFFFF00] =	vst v12  }
0x259: {  	v11 =	vpsel p1, v11, v0;
	s24 =	smov.u32 @p1 s25;
	v12 =	vmul.f32 $8.000000000e+00, v15;
	[tilespmem:s23+$0xFFFFFF80] =	vst v9;
	v9 =	vand.u32 $0xFFFFFFF8, v13  }
0x25a: {  	v10 =	vmul.f32 $8.000000000e+00, v10;
	[tilespmem:s24+$0x100] =	vst @p1 v11;
	v15 =	vadd.s32 v4, v9  }
0x25b: {  	p1 =	por $0x1, $0x1;
	[tilespmem:s23+$0x0] =	vst v12;
	v12 =	vmul.f32 $8.000000000e+00, v14;
	v18 =	vor.u32 $0x7, v15  }
.Ltmp41:
0x25c: {  	[tilespmem:s23+$0xFFFFFE00] =	vst v10;
	v8 =	vmul.f32 $8.000000000e+00, v8;
	(pc) =	sbr.rel @!p1 .LBB2_79-.Ltmp41, $4  }
0x25d: {  	[tilespmem:s23+$0x80] =	vst v12  }
0x25e: {  	v14 =	vor.u32 $0x1, v15;
	[tilespmem:s23+$0x100] =	vst v8  }
0x25f: {  	v11 =	vor.u32 $0x3, v15;
	v20 =	vor.u32 $0x4, v15;
	v16 =	vor.u32 $0x5, v15;
	v10 =	vld.idx.msk [tilespmem:v15+s13+$0x0], $0xffff  }
0x260: {  	p2 =	por $0x0, $0x0;
	p0 =	por $0x0, $0x0;
	v17 =	vor.u32 $0x6, v15;
	v12 =	vor.u32 $0x2, v15;
	s23 =	simm.s32 $0x10640;
	v8 =	vadd.s32 $0x8, v13;
	v15 =	vld.idx.msk [tilespmem:v18+s13+$0x0], $0xffff  }
0x261: {  	_ =	sdelay $0x3  }
0x262: {  	v13 =	vand.u32 $0xFFFFFFF8, v8;
	v21 =	vld.idx.msk [tilespmem:v14+s13+$0x0], $0xffff  }
0x263: {  	v23 =	vld.idx.msk [tilespmem:v12+s13+$0x0], $0xffff;
	v22 =	vadd.s32 v4, v13  }
0x264: {  	v19 =	vld.idx.msk [tilespmem:v11+s13+$0x0], $0xffff;
	p3 =	por $0x1, $0x1;
	v27 =	vor.u32 $0x7, v22  }
.Ltmp42:
0x265: {  	v18 =	vld.idx.msk [tilespmem:v20+s13+$0x0], $0xffff;
	(pc) =	sbr.rel @!p3 .LBB2_81-.Ltmp42, $4  }
0x266: {  	v25 =	vld.idx.msk [tilespmem:v16+s13+$0x0], $0xffff;
	v28 =	vadd.s32 $0x8, v8;
	v14 =	vor.u32 $0x1, v22  }
0x267: {  	v13 =	vld.idx.msk [tilespmem:v17+s13+$0x0], $0xffff;
	v12 =	vor.u32 $0x2, v22;
	v11 =	vor.u32 $0x3, v22;
	v29 =	vmul.f32 $8.000000000e+00, v15  }
0x268: {  	v20 =	vor.u32 $0x4, v22;
	v16 =	vor.u32 $0x5, v22;
	v24 =	vmul.f32 $8.000000000e+00, v10;
	v10 =	vld.idx.msk [tilespmem:v22+s13+$0x0], $0xffff  }
0x269: {  	p2 =	por $0x1, $0x1;
	v17 =	vor.u32 $0x6, v22;
	v26 =	vmul.f32 $8.000000000e+00, v21;
	[tilespmem:s23+$0x180] =	vst v29;
	v15 =	vld.idx.msk [tilespmem:v27+s13+$0x0], $0xffff;
	v27 =	vmul.f32 $8.000000000e+00, v23  }
0x26a: {  	_ =	sdelay $0x3  }
0x26b: {  	v21 =	vand.u32 $0xFFFFFFF8, v28;
	v29 =	vld.idx.msk [tilespmem:v14+s13+$0x0], $0xffff  }
0x26c: {  	v30 =	vld.idx.msk [tilespmem:v12+s13+$0x0], $0xffff;
	[tilespmem:s23+$0xFFFFFE80] =	vst v26;
	v26 =	vadd.s32 v4, v21  }
0x26d: {  	v22 =	vmul.f32 $8.000000000e+00, v19;
	v19 =	vld.idx.msk [tilespmem:v11+s13+$0x0], $0xffff;
	p4 =	por $0x1, $0x1;
	[tilespmem:s23+$0xFFFFFF00] =	vst v27;
	v27 =	vor.u32 $0x7, v26  }
.Ltmp43:
0x26e: {  	[tilespmem:s23+$0xFFFFFE00] =	vst v24;
	v21 =	vmul.f32 $8.000000000e+00, v18;
	v18 =	vld.idx.msk [tilespmem:v20+s13+$0x0], $0xffff;
	v25 =	vmul.f32 $8.000000000e+00, v25;
	v14 =	vor.u32 $0x1, v26;
	(pc) =	sbr.rel @!p4 .LBB2_83-.Ltmp43, $4  }
0x26f: {  	[tilespmem:s23+$0xFFFFFF80] =	vst v22;
	v12 =	vor.u32 $0x2, v26;
	v22 =	vld.idx.msk [tilespmem:v16+s13+$0x0], $0xffff;
	v11 =	vor.u32 $0x3, v26;
	v20 =	vor.u32 $0x4, v26  }
0x270: {  	v16 =	vor.u32 $0x5, v26;
	[tilespmem:s23+$0x0] =	vst v21;
	v21 =	vmul.f32 $8.000000000e+00, v13;
	v13 =	vld.idx.msk [tilespmem:v17+s13+$0x0], $0xffff;
	v31 =	vmul.f32 $8.000000000e+00, v15  }
0x271: {  	s24 =	simm.s32 $0x10A40;
	v23 =	vmul.f32 $8.000000000e+00, v10;
	v17 =	vor.u32 $0x6, v26;
	[tilespmem:s23+$0x80] =	vst v25;
	v10 =	vld.idx.msk [tilespmem:v26+s13+$0x0], $0xffff;
	v26 =	vmul.f32 $8.000000000e+00, v29  }
0x272: {  	s26 =	simm.s32 $0x10;
	v24 =	vadd.s32 $0x8, v28;
	p3 =	por $0x1, $0x1;
	s25 =	simm.s32 $0x10640;
	[tilespmem:s24+$0x180] =	vst v31;
	v15 =	vld.idx.msk [tilespmem:v27+s13+$0x0], $0xffff;
	v27 =	vmul.f32 $8.000000000e+00, v30  }
.LBB2_84:
0x273: {  	v25 =	vand.u32 $0xFFFFFFF8, v24;
	s26 =	sadd.s32 $0x8, s26;
	v28 =	vld.idx.msk [tilespmem:v14+s13+$0x0], $0xffff;
	[tilespmem:s24+$0xFFFFFE80] =	vst v26;
	v26 =	vmul.f32 $8.000000000e+00, v19  }
0x274: {  	v25 =	vadd.s32 v4, v25;
	p4 =	slt.u32 s26, $0x38;
	v29 =	vld.idx.msk [tilespmem:v12+s13+$0x0], $0xffff;
	[tilespmem:s24+$0xFFFFFF00] =	vst v27;
	v27 =	vmul.f32 $8.000000000e+00, v18  }
0x275: {  	v14 =	vor.u32 $0x1, v25;
	v12 =	vor.u32 $0x2, v25;
	v30 =	vor.u32 $0x7, v25;
	v19 =	vld.idx.msk [tilespmem:v11+s13+$0x0], $0xffff;
	[tilespmem:s24+$0xFFFFFF80] =	vst v26  }
.Ltmp44:
0x276: {  	v11 =	vor.u32 $0x3, v25;
	v26 =	vor.u32 $0x5, v25;
	v18 =	vld.idx.msk [tilespmem:v20+s13+$0x0], $0xffff;
	v20 =	vor.u32 $0x4, v25;
	[tilespmem:s24+$0x0] =	vst v27;
	(pc) =	sbr.rel @p4 .LBB2_84-.Ltmp44, $4  }
0x277: {  	v31 =	vmul.f32 $8.000000000e+00, v22;
	v27 =	vor.u32 $0x6, v25;
	v22 =	vld.idx.msk [tilespmem:v16+s13+$0x0], $0xffff;
	[tilespmem:s25+$0x100] =	vst v21;
	v21 =	vmul.f32 $8.000000000e+00, v13;
	v16 =	vmovc v26;
	s25 =	smov.u32 s24  }
0x278: {  	v32 =	vmul.f32 $8.000000000e+00, v15;
	v13 =	vld.idx.msk [tilespmem:v17+s13+$0x0], $0xffff;
	[tilespmem:s24+$0xFFFFFE00] =	vst v23;
	v23 =	vmul.f32 $8.000000000e+00, v10;
	v17 =	vmov v27  }
0x279: {  	v26 =	vmul.f32 $8.000000000e+00, v28;
	s24 =	sadd.s32 $0x400, s24;
	v10 =	vld.idx.msk [tilespmem:v25+s13+$0x0], $0xffff;
	[tilespmem:s25+$0x80] =	vst v31  }
0x27a: {  	v24 =	vadd.s32 $0x8, v24;
	v27 =	vmul.f32 $8.000000000e+00, v29;
	v15 =	vld.idx.msk [tilespmem:v30+s13+$0x0], $0xffff;
	[tilespmem:s24+$0x180] =	vst v32  }
0x27b: {  	_ = 	snop  }
0x27c: {  	v24 =	vmov v23;
	v25 =	vmov v22  }
.LBB2_86:
0x27d: {  	_ =	sdelay $0x1  }
0x27e: {  	[tilespmem:s24+$0xFFFFFE80] =	vst @p2 v26  }
0x27f: {  	[tilespmem:s24+$0xFFFFFF00] =	vst @p2 v27  }
0x280: {  	v19 =	vmul.f32 @p2 $8.000000000e+00, v19;
	v14 =	vld.idx.msk [tilespmem:v14+s13+$0x0], $0xffff;
	[tilespmem:s25+$0x100] =	vst @p3 v21  }
0x281: {  	v18 =	vmul.f32 @p2 $8.000000000e+00, v18;
	v12 =	vld.idx.msk [tilespmem:v12+s13+$0x0], $0xffff;
	[tilespmem:s24+$0xFFFFFE00] =	vst @p2 v24  }
0x282: {  	v11 =	vld.idx.msk [tilespmem:v11+s13+$0x0], $0xffff;
	[tilespmem:s24+$0xFFFFFF80] =	vst @p2 v19;
	v19 =	vmul.f32 @p2 $8.000000000e+00, v25  }
0x283: {  	s25 =	smov.u32 @p2 s24;
	[tilespmem:s24+$0x0] =	vst @p2 v18;
	v15 =	vmul.f32 $8.000000000e+00, v15;
	s24 =	sadd.s32 @p2 $0x400, s24  }
0x284: {  	v10 =	vmul.f32 $8.000000000e+00, v10;
	v18 =	vld.idx.msk [tilespmem:v20+s13+$0x0], $0xffff;
	s23 =	smov.u32 @p2 s24;
	[tilespmem:s25+$0x80] =	vst @p2 v19  }
0x285: {  	v16 =	vld.idx.msk [tilespmem:v16+s13+$0x0], $0xffff;
	[tilespmem:s23+$0x180] =	vst v15;
	v14 =	vmul.f32 $8.000000000e+00, v14  }
0x286: {  	v15 =	vld.idx.msk [tilespmem:v17+s13+$0x0], $0xffff;
	[tilespmem:s23+$0xFFFFFE00] =	vst v10;
	v12 =	vmul.f32 $8.000000000e+00, v12  }
0x287: {  	v13 =	vmul.f32 @p2 $8.000000000e+00, v13;
	v11 =	vmul.f32 $8.000000000e+00, v11;
	[tilespmem:s23+$0xFFFFFE80] =	vst v14  }
0x288: {  	[tilespmem:s23+$0xFFFFFF00] =	vst v12  }
0x289: {  	s24 =	smov.u32 @p2 s25;
	v12 =	vmul.f32 $8.000000000e+00, v18;
	[tilespmem:s23+$0xFFFFFF80] =	vst v11;
	v11 =	vpsel p2, v13, v0;
	v14 =	vadd.s32 v5, v9  }
0x28a: {  	v9 =	vmul.f32 $8.000000000e+00, v16;
	[tilespmem:s24+$0x100] =	vst @p2 v11;
	v11 =	vor.u32 $0x7, v14  }
.Ltmp45:
0x28b: {  	[tilespmem:s23+$0x0] =	vst v12;
	v12 =	vmul.f32 $8.000000000e+00, v15;
	(pc) =	sbr.rel @!p1 .LBB2_87-.Ltmp45, $4  }
0x28c: {  	[tilespmem:s23+$0x80] =	vst v9  }
0x28d: {  	[tilespmem:s23+$0x100] =	vst v12  }
0x28e: {  	v13 =	vor.u32 $0x1, v14;
	v19 =	vor.u32 $0x4, v14;
	v17 =	vor.u32 $0x5, v14;
	v10 =	vld.idx.msk [tilespmem:v14+s13+$0x0], $0xffff  }
0x28f: {  	v18 =	vor.u32 $0x6, v14;
	v9 =	vor.u32 $0x3, v14;
	v12 =	vor.u32 $0x2, v14;
	s23 =	simm.s32 $0x10650;
	v14 =	vld.idx.msk [tilespmem:v11+s13+$0x0], $0xffff  }
0x290: {  	_ =	sdelay $0x3  }
0x291: {  	v11 =	vand.u32 $0xFFFFFFF8, v8;
	v20 =	vld.idx.msk [tilespmem:v13+s13+$0x0], $0xffff  }
0x292: {  	v25 =	vld.idx.msk [tilespmem:v12+s13+$0x0], $0xffff;
	v21 =	vadd.s32 v5, v11  }
0x293: {  	v16 =	vld.idx.msk [tilespmem:v9+s13+$0x0], $0xffff;
	p2 =	por $0x1, $0x1;
	v26 =	vor.u32 $0x7, v21  }
.Ltmp46:
0x294: {  	v15 =	vld.idx.msk [tilespmem:v19+s13+$0x0], $0xffff;
	(pc) =	sbr.rel @!p2 .LBB2_89-.Ltmp46, $4  }
0x295: {  	v23 =	vld.idx.msk [tilespmem:v17+s13+$0x0], $0xffff;
	v13 =	vor.u32 $0x1, v21;
	v12 =	vor.u32 $0x2, v21  }
0x296: {  	v11 =	vld.idx.msk [tilespmem:v18+s13+$0x0], $0xffff;
	v9 =	vor.u32 $0x3, v21;
	v19 =	vor.u32 $0x4, v21;
	v27 =	vmul.f32 $8.000000000e+00, v14  }
0x297: {  	v17 =	vor.u32 $0x5, v21;
	v18 =	vor.u32 $0x6, v21;
	v22 =	vmul.f32 $8.000000000e+00, v10;
	v10 =	vld.idx.msk [tilespmem:v21+s13+$0x0], $0xffff  }
0x298: {  	p1 =	por $0x1, $0x1;
	v24 =	vmul.f32 $8.000000000e+00, v20;
	v25 =	vmul.f32 $8.000000000e+00, v25;
	[tilespmem:s23+$0x180] =	vst v27;
	v14 =	vld.idx.msk [tilespmem:v26+s13+$0x0], $0xffff;
	v26 =	vadd.s32 $0x8, v8  }
0x299: {  	_ =	sdelay $0x3  }
0x29a: {  	v8 =	vand.u32 $0xFFFFFFF8, v26;
	v27 =	vld.idx.msk [tilespmem:v13+s13+$0x0], $0xffff  }
0x29b: {  	v28 =	vld.idx.msk [tilespmem:v12+s13+$0x0], $0xffff;
	[tilespmem:s23+$0xFFFFFE80] =	vst v24;
	v24 =	vadd.s32 v5, v8  }
0x29c: {  	v20 =	vmul.f32 $8.000000000e+00, v16;
	v16 =	vld.idx.msk [tilespmem:v9+s13+$0x0], $0xffff;
	p2 =	por $0x1, $0x1;
	[tilespmem:s23+$0xFFFFFF00] =	vst v25;
	v25 =	vor.u32 $0x7, v24  }
.Ltmp47:
0x29d: {  	[tilespmem:s23+$0xFFFFFE00] =	vst v22;
	v8 =	vmul.f32 $8.000000000e+00, v15;
	v15 =	vld.idx.msk [tilespmem:v19+s13+$0x0], $0xffff;
	v23 =	vmul.f32 $8.000000000e+00, v23;
	v13 =	vor.u32 $0x1, v24;
	(pc) =	sbr.rel @!p2 .LBB2_91-.Ltmp47, $4  }
0x29e: {  	[tilespmem:s23+$0xFFFFFF80] =	vst v20;
	v12 =	vor.u32 $0x2, v24;
	v20 =	vld.idx.msk [tilespmem:v17+s13+$0x0], $0xffff;
	v9 =	vor.u32 $0x3, v24;
	v19 =	vor.u32 $0x4, v24  }
0x29f: {  	v17 =	vor.u32 $0x5, v24;
	[tilespmem:s23+$0x0] =	vst v8;
	v8 =	vmul.f32 $8.000000000e+00, v11;
	v11 =	vld.idx.msk [tilespmem:v18+s13+$0x0], $0xffff;
	v29 =	vmul.f32 $8.000000000e+00, v14  }
0x2a0: {  	s24 =	simm.s32 $0x10A50;
	v21 =	vmul.f32 $8.000000000e+00, v10;
	v18 =	vor.u32 $0x6, v24;
	[tilespmem:s23+$0x80] =	vst v23;
	v10 =	vld.idx.msk [tilespmem:v24+s13+$0x0], $0xffff;
	v24 =	vmul.f32 $8.000000000e+00, v27  }
0x2a1: {  	s26 =	simm.s32 $0x10;
	v22 =	vadd.s32 $0x8, v26;
	p0 =	por $0x1, $0x1;
	s25 =	simm.s32 $0x10650;
	[tilespmem:s24+$0x180] =	vst v29;
	v14 =	vld.idx.msk [tilespmem:v25+s13+$0x0], $0xffff;
	v25 =	vmul.f32 $8.000000000e+00, v28  }
.LBB2_92:
0x2a2: {  	v23 =	vand.u32 $0xFFFFFFF8, v22;
	s26 =	sadd.s32 $0x8, s26;
	v26 =	vld.idx.msk [tilespmem:v13+s13+$0x0], $0xffff;
	[tilespmem:s24+$0xFFFFFE80] =	vst v24;
	v24 =	vmul.f32 $8.000000000e+00, v16  }
0x2a3: {  	v23 =	vadd.s32 v5, v23;
	p2 =	slt.u32 s26, $0x38;
	v27 =	vld.idx.msk [tilespmem:v12+s13+$0x0], $0xffff;
	[tilespmem:s24+$0xFFFFFF00] =	vst v25;
	v25 =	vmul.f32 $8.000000000e+00, v15  }
0x2a4: {  	v13 =	vor.u32 $0x1, v23;
	v12 =	vor.u32 $0x2, v23;
	v28 =	vor.u32 $0x7, v23;
	v16 =	vld.idx.msk [tilespmem:v9+s13+$0x0], $0xffff;
	[tilespmem:s24+$0xFFFFFF80] =	vst v24  }
.Ltmp48:
0x2a5: {  	v9 =	vor.u32 $0x3, v23;
	v24 =	vor.u32 $0x5, v23;
	v15 =	vld.idx.msk [tilespmem:v19+s13+$0x0], $0xffff;
	v19 =	vor.u32 $0x4, v23;
	[tilespmem:s24+$0x0] =	vst v25;
	(pc) =	sbr.rel @p2 .LBB2_92-.Ltmp48, $4  }
0x2a6: {  	v29 =	vmul.f32 $8.000000000e+00, v20;
	v25 =	vor.u32 $0x6, v23;
	v20 =	vld.idx.msk [tilespmem:v17+s13+$0x0], $0xffff;
	[tilespmem:s25+$0x100] =	vst v8;
	v8 =	vmul.f32 $8.000000000e+00, v11;
	v17 =	vmovc v24;
	s25 =	smov.u32 s24  }
0x2a7: {  	v30 =	vmul.f32 $8.000000000e+00, v14;
	v11 =	vld.idx.msk [tilespmem:v18+s13+$0x0], $0xffff;
	[tilespmem:s24+$0xFFFFFE00] =	vst v21;
	v21 =	vmul.f32 $8.000000000e+00, v10;
	v18 =	vmov v25  }
0x2a8: {  	v24 =	vmul.f32 $8.000000000e+00, v26;
	s24 =	sadd.s32 $0x400, s24;
	v10 =	vld.idx.msk [tilespmem:v23+s13+$0x0], $0xffff;
	[tilespmem:s25+$0x80] =	vst v29  }
0x2a9: {  	v22 =	vadd.s32 $0x8, v22;
	v25 =	vmul.f32 $8.000000000e+00, v27;
	v14 =	vld.idx.msk [tilespmem:v28+s13+$0x0], $0xffff;
	[tilespmem:s24+$0x180] =	vst v30  }
0x2aa: {  	_ = 	snop  }
0x2ab: {  	v22 =	vmov v21;
	v23 =	vmov v20  }
.LBB2_94:
0x2ac: {  	_ =	sdelay $0x2  }
0x2ad: {  	[tilespmem:s24+$0xFFFFFE80] =	vst @p1 v24  }
0x2ae: {  	v13 =	vld.idx.msk [tilespmem:v13+s13+$0x0], $0xffff;
	[tilespmem:s24+$0xFFFFFF00] =	vst @p1 v25  }
0x2af: {  	v16 =	vmul.f32 @p1 $8.000000000e+00, v16;
	v12 =	vld.idx.msk [tilespmem:v12+s13+$0x0], $0xffff;
	[tilespmem:s25+$0x100] =	vst @p0 v8  }
0x2b0: {  	v15 =	vmul.f32 @p1 $8.000000000e+00, v15;
	v9 =	vld.idx.msk [tilespmem:v9+s13+$0x0], $0xffff;
	[tilespmem:s24+$0xFFFFFE00] =	vst @p1 v22  }
0x2b1: {  	[tilespmem:s24+$0xFFFFFF80] =	vst @p1 v16;
	v16 =	vmul.f32 @p1 $8.000000000e+00, v23  }
0x2b2: {  	s25 =	smov.u32 @p1 s24;
	[tilespmem:s24+$0x0] =	vst @p1 v15;
	v15 =	vld.idx.msk [tilespmem:v19+s13+$0x0], $0xffff;
	v8 =	vmul.f32 $8.000000000e+00, v14;
	s24 =	sadd.s32 @p1 $0x400, s24  }
0x2b3: {  	s23 =	smov.u32 @p1 s24;
	[tilespmem:s25+$0x80] =	vst @p1 v16;
	v13 =	vmul.f32 $8.000000000e+00, v13  }
0x2b4: {  	v14 =	vld.idx.msk [tilespmem:v17+s13+$0x0], $0xffff;
	[tilespmem:s23+$0x180] =	vst v8;
	v12 =	vmul.f32 $8.000000000e+00, v12  }
0x2b5: {  	v11 =	vmul.f32 @p1 $8.000000000e+00, v11;
	v8 =	vld.idx.msk [tilespmem:v18+s13+$0x0], $0xffff;
	v9 =	vmul.f32 $8.000000000e+00, v9;
	[tilespmem:s23+$0xFFFFFE80] =	vst v13  }
0x2b6: {  	v13 =	vimm.s32 $0x0;
	[tilespmem:s23+$0xFFFFFF00] =	vst v12  }
0x2b7: {  	v11 =	vpsel p1, v11, v0;
	s24 =	smov.u32 @p1 s25;
	v12 =	vmul.f32 $8.000000000e+00, v15;
	[tilespmem:s23+$0xFFFFFF80] =	vst v9;
	v9 =	vand.u32 $0xFFFFFFF8, v13  }
0x2b8: {  	v10 =	vmul.f32 $8.000000000e+00, v10;
	[tilespmem:s24+$0x100] =	vst @p1 v11;
	v15 =	vadd.s32 v6, v9  }
0x2b9: {  	p1 =	por $0x1, $0x1;
	[tilespmem:s23+$0x0] =	vst v12;
	v12 =	vmul.f32 $8.000000000e+00, v14;
	v18 =	vor.u32 $0x7, v15  }
.Ltmp49:
0x2ba: {  	[tilespmem:s23+$0xFFFFFE00] =	vst v10;
	v8 =	vmul.f32 $8.000000000e+00, v8;
	(pc) =	sbr.rel @!p1 .LBB2_95-.Ltmp49, $4  }
0x2bb: {  	[tilespmem:s23+$0x80] =	vst v12  }
0x2bc: {  	v14 =	vor.u32 $0x1, v15;
	[tilespmem:s23+$0x100] =	vst v8  }
0x2bd: {  	v11 =	vor.u32 $0x3, v15;
	v20 =	vor.u32 $0x4, v15;
	v16 =	vor.u32 $0x5, v15;
	v10 =	vld.idx.msk [tilespmem:v15+s13+$0x0], $0xffff  }
0x2be: {  	p2 =	por $0x0, $0x0;
	p0 =	por $0x0, $0x0;
	v17 =	vor.u32 $0x6, v15;
	v12 =	vor.u32 $0x2, v15;
	s23 =	simm.s32 $0x10660;
	v8 =	vadd.s32 $0x8, v13;
	v15 =	vld.idx.msk [tilespmem:v18+s13+$0x0], $0xffff  }
0x2bf: {  	_ =	sdelay $0x3  }
0x2c0: {  	v13 =	vand.u32 $0xFFFFFFF8, v8;
	v21 =	vld.idx.msk [tilespmem:v14+s13+$0x0], $0xffff  }
0x2c1: {  	v23 =	vld.idx.msk [tilespmem:v12+s13+$0x0], $0xffff;
	v22 =	vadd.s32 v6, v13  }
0x2c2: {  	v19 =	vld.idx.msk [tilespmem:v11+s13+$0x0], $0xffff;
	p3 =	por $0x1, $0x1;
	v27 =	vor.u32 $0x7, v22  }
.Ltmp50:
0x2c3: {  	v18 =	vld.idx.msk [tilespmem:v20+s13+$0x0], $0xffff;
	(pc) =	sbr.rel @!p3 .LBB2_97-.Ltmp50, $4  }
0x2c4: {  	v25 =	vld.idx.msk [tilespmem:v16+s13+$0x0], $0xffff;
	v28 =	vadd.s32 $0x8, v8;
	v14 =	vor.u32 $0x1, v22  }
0x2c5: {  	v13 =	vld.idx.msk [tilespmem:v17+s13+$0x0], $0xffff;
	v12 =	vor.u32 $0x2, v22;
	v11 =	vor.u32 $0x3, v22;
	v29 =	vmul.f32 $8.000000000e+00, v15  }
0x2c6: {  	v20 =	vor.u32 $0x4, v22;
	v16 =	vor.u32 $0x5, v22;
	v24 =	vmul.f32 $8.000000000e+00, v10;
	v10 =	vld.idx.msk [tilespmem:v22+s13+$0x0], $0xffff  }
0x2c7: {  	p2 =	por $0x1, $0x1;
	v17 =	vor.u32 $0x6, v22;
	v26 =	vmul.f32 $8.000000000e+00, v21;
	[tilespmem:s23+$0x180] =	vst v29;
	v15 =	vld.idx.msk [tilespmem:v27+s13+$0x0], $0xffff;
	v27 =	vmul.f32 $8.000000000e+00, v23  }
0x2c8: {  	_ =	sdelay $0x3  }
0x2c9: {  	v21 =	vand.u32 $0xFFFFFFF8, v28;
	v29 =	vld.idx.msk [tilespmem:v14+s13+$0x0], $0xffff  }
0x2ca: {  	v30 =	vld.idx.msk [tilespmem:v12+s13+$0x0], $0xffff;
	[tilespmem:s23+$0xFFFFFE80] =	vst v26;
	v26 =	vadd.s32 v6, v21  }
0x2cb: {  	v22 =	vmul.f32 $8.000000000e+00, v19;
	v19 =	vld.idx.msk [tilespmem:v11+s13+$0x0], $0xffff;
	p4 =	por $0x1, $0x1;
	[tilespmem:s23+$0xFFFFFF00] =	vst v27;
	v27 =	vor.u32 $0x7, v26  }
.Ltmp51:
0x2cc: {  	[tilespmem:s23+$0xFFFFFE00] =	vst v24;
	v21 =	vmul.f32 $8.000000000e+00, v18;
	v18 =	vld.idx.msk [tilespmem:v20+s13+$0x0], $0xffff;
	v25 =	vmul.f32 $8.000000000e+00, v25;
	v14 =	vor.u32 $0x1, v26;
	(pc) =	sbr.rel @!p4 .LBB2_99-.Ltmp51, $4  }
0x2cd: {  	[tilespmem:s23+$0xFFFFFF80] =	vst v22;
	v12 =	vor.u32 $0x2, v26;
	v22 =	vld.idx.msk [tilespmem:v16+s13+$0x0], $0xffff;
	v11 =	vor.u32 $0x3, v26;
	v20 =	vor.u32 $0x4, v26  }
0x2ce: {  	v16 =	vor.u32 $0x5, v26;
	[tilespmem:s23+$0x0] =	vst v21;
	v21 =	vmul.f32 $8.000000000e+00, v13;
	v13 =	vld.idx.msk [tilespmem:v17+s13+$0x0], $0xffff;
	v31 =	vmul.f32 $8.000000000e+00, v15  }
0x2cf: {  	s24 =	simm.s32 $0x10A60;
	v23 =	vmul.f32 $8.000000000e+00, v10;
	v17 =	vor.u32 $0x6, v26;
	[tilespmem:s23+$0x80] =	vst v25;
	v10 =	vld.idx.msk [tilespmem:v26+s13+$0x0], $0xffff;
	v26 =	vmul.f32 $8.000000000e+00, v29  }
0x2d0: {  	s26 =	simm.s32 $0x10;
	v24 =	vadd.s32 $0x8, v28;
	p3 =	por $0x1, $0x1;
	s25 =	simm.s32 $0x10660;
	[tilespmem:s24+$0x180] =	vst v31;
	v15 =	vld.idx.msk [tilespmem:v27+s13+$0x0], $0xffff;
	v27 =	vmul.f32 $8.000000000e+00, v30  }
.LBB2_100:
0x2d1: {  	v25 =	vand.u32 $0xFFFFFFF8, v24;
	s26 =	sadd.s32 $0x8, s26;
	v28 =	vld.idx.msk [tilespmem:v14+s13+$0x0], $0xffff;
	[tilespmem:s24+$0xFFFFFE80] =	vst v26;
	v26 =	vmul.f32 $8.000000000e+00, v19  }
0x2d2: {  	v25 =	vadd.s32 v6, v25;
	p4 =	slt.u32 s26, $0x38;
	v29 =	vld.idx.msk [tilespmem:v12+s13+$0x0], $0xffff;
	[tilespmem:s24+$0xFFFFFF00] =	vst v27;
	v27 =	vmul.f32 $8.000000000e+00, v18  }
0x2d3: {  	v14 =	vor.u32 $0x1, v25;
	v12 =	vor.u32 $0x2, v25;
	v30 =	vor.u32 $0x7, v25;
	v19 =	vld.idx.msk [tilespmem:v11+s13+$0x0], $0xffff;
	[tilespmem:s24+$0xFFFFFF80] =	vst v26  }
.Ltmp52:
0x2d4: {  	v11 =	vor.u32 $0x3, v25;
	v26 =	vor.u32 $0x5, v25;
	v18 =	vld.idx.msk [tilespmem:v20+s13+$0x0], $0xffff;
	v20 =	vor.u32 $0x4, v25;
	[tilespmem:s24+$0x0] =	vst v27;
	(pc) =	sbr.rel @p4 .LBB2_100-.Ltmp52, $4  }
0x2d5: {  	v31 =	vmul.f32 $8.000000000e+00, v22;
	v27 =	vor.u32 $0x6, v25;
	v22 =	vld.idx.msk [tilespmem:v16+s13+$0x0], $0xffff;
	[tilespmem:s25+$0x100] =	vst v21;
	v21 =	vmul.f32 $8.000000000e+00, v13;
	v16 =	vmovc v26;
	s25 =	smov.u32 s24  }
0x2d6: {  	v32 =	vmul.f32 $8.000000000e+00, v15;
	v13 =	vld.idx.msk [tilespmem:v17+s13+$0x0], $0xffff;
	[tilespmem:s24+$0xFFFFFE00] =	vst v23;
	v23 =	vmul.f32 $8.000000000e+00, v10;
	v17 =	vmov v27  }
0x2d7: {  	v26 =	vmul.f32 $8.000000000e+00, v28;
	s24 =	sadd.s32 $0x400, s24;
	v10 =	vld.idx.msk [tilespmem:v25+s13+$0x0], $0xffff;
	[tilespmem:s25+$0x80] =	vst v31  }
0x2d8: {  	v24 =	vadd.s32 $0x8, v24;
	v27 =	vmul.f32 $8.000000000e+00, v29;
	v15 =	vld.idx.msk [tilespmem:v30+s13+$0x0], $0xffff;
	[tilespmem:s24+$0x180] =	vst v32  }
0x2d9: {  	_ = 	snop  }
0x2da: {  	v24 =	vmov v23;
	v25 =	vmov v22  }
.LBB2_102:
0x2db: {  	_ =	sdelay $0x1  }
0x2dc: {  	[tilespmem:s24+$0xFFFFFE80] =	vst @p2 v26  }
0x2dd: {  	[tilespmem:s24+$0xFFFFFF00] =	vst @p2 v27  }
0x2de: {  	v19 =	vmul.f32 @p2 $8.000000000e+00, v19;
	v14 =	vld.idx.msk [tilespmem:v14+s13+$0x0], $0xffff;
	[tilespmem:s25+$0x100] =	vst @p3 v21  }
0x2df: {  	v18 =	vmul.f32 @p2 $8.000000000e+00, v18;
	v12 =	vld.idx.msk [tilespmem:v12+s13+$0x0], $0xffff;
	[tilespmem:s24+$0xFFFFFE00] =	vst @p2 v24  }
0x2e0: {  	v11 =	vld.idx.msk [tilespmem:v11+s13+$0x0], $0xffff;
	[tilespmem:s24+$0xFFFFFF80] =	vst @p2 v19;
	v19 =	vmul.f32 @p2 $8.000000000e+00, v25  }
0x2e1: {  	s25 =	smov.u32 @p2 s24;
	[tilespmem:s24+$0x0] =	vst @p2 v18;
	v15 =	vmul.f32 $8.000000000e+00, v15;
	s24 =	sadd.s32 @p2 $0x400, s24  }
0x2e2: {  	v10 =	vmul.f32 $8.000000000e+00, v10;
	v18 =	vld.idx.msk [tilespmem:v20+s13+$0x0], $0xffff;
	s23 =	smov.u32 @p2 s24;
	[tilespmem:s25+$0x80] =	vst @p2 v19  }
0x2e3: {  	v16 =	vld.idx.msk [tilespmem:v16+s13+$0x0], $0xffff;
	[tilespmem:s23+$0x180] =	vst v15;
	v14 =	vmul.f32 $8.000000000e+00, v14  }
0x2e4: {  	v15 =	vld.idx.msk [tilespmem:v17+s13+$0x0], $0xffff;
	[tilespmem:s23+$0xFFFFFE00] =	vst v10;
	v12 =	vmul.f32 $8.000000000e+00, v12  }
0x2e5: {  	v13 =	vmul.f32 @p2 $8.000000000e+00, v13;
	v11 =	vmul.f32 $8.000000000e+00, v11;
	[tilespmem:s23+$0xFFFFFE80] =	vst v14  }
0x2e6: {  	[tilespmem:s23+$0xFFFFFF00] =	vst v12  }
0x2e7: {  	s24 =	smov.u32 @p2 s25;
	v12 =	vmul.f32 $8.000000000e+00, v18;
	[tilespmem:s23+$0xFFFFFF80] =	vst v11;
	v11 =	vpsel p2, v13, v0;
	v14 =	vadd.s32 v7, v9  }
0x2e8: {  	v9 =	vmul.f32 $8.000000000e+00, v16;
	[tilespmem:s24+$0x100] =	vst @p2 v11;
	v11 =	vor.u32 $0x7, v14  }
.Ltmp53:
0x2e9: {  	[tilespmem:s23+$0x0] =	vst v12;
	v12 =	vmul.f32 $8.000000000e+00, v15;
	(pc) =	sbr.rel @!p1 .LBB2_103-.Ltmp53, $4  }
0x2ea: {  	[tilespmem:s23+$0x80] =	vst v9  }
0x2eb: {  	[tilespmem:s23+$0x100] =	vst v12  }
0x2ec: {  	v13 =	vor.u32 $0x1, v14;
	v10 =	vor.u32 $0x3, v14;
	v19 =	vor.u32 $0x4, v14;
	v9 =	vld.idx.msk [tilespmem:v14+s13+$0x0], $0xffff  }
0x2ed: {  	v17 =	vor.u32 $0x5, v14;
	v18 =	vor.u32 $0x6, v14;
	v12 =	vor.u32 $0x2, v14;
	s23 =	simm.s32 $0x10670;
	v14 =	vld.idx.msk [tilespmem:v11+s13+$0x0], $0xffff  }
0x2ee: {  	_ =	sdelay $0x3  }
0x2ef: {  	v11 =	vand.u32 $0xFFFFFFF8, v8;
	v20 =	vld.idx.msk [tilespmem:v13+s13+$0x0], $0xffff  }
0x2f0: {  	v25 =	vld.idx.msk [tilespmem:v12+s13+$0x0], $0xffff;
	v21 =	vadd.s32 v7, v11  }
0x2f1: {  	v16 =	vld.idx.msk [tilespmem:v10+s13+$0x0], $0xffff;
	p2 =	por $0x1, $0x1;
	v26 =	vor.u32 $0x7, v21  }
.Ltmp54:
0x2f2: {  	v15 =	vld.idx.msk [tilespmem:v19+s13+$0x0], $0xffff;
	(pc) =	sbr.rel @!p2 .LBB2_105-.Ltmp54, $4  }
0x2f3: {  	v23 =	vld.idx.msk [tilespmem:v17+s13+$0x0], $0xffff;
	v13 =	vor.u32 $0x1, v21;
	v12 =	vor.u32 $0x2, v21  }
0x2f4: {  	v11 =	vld.idx.msk [tilespmem:v18+s13+$0x0], $0xffff;
	v10 =	vor.u32 $0x3, v21;
	v19 =	vor.u32 $0x4, v21;
	v27 =	vmul.f32 $8.000000000e+00, v14  }
0x2f5: {  	v17 =	vor.u32 $0x5, v21;
	v18 =	vor.u32 $0x6, v21;
	v22 =	vmul.f32 $8.000000000e+00, v9;
	v9 =	vld.idx.msk [tilespmem:v21+s13+$0x0], $0xffff  }
0x2f6: {  	p1 =	por $0x1, $0x1;
	v24 =	vmul.f32 $8.000000000e+00, v20;
	v25 =	vmul.f32 $8.000000000e+00, v25;
	[tilespmem:s23+$0x180] =	vst v27;
	v14 =	vld.idx.msk [tilespmem:v26+s13+$0x0], $0xffff;
	v26 =	vadd.s32 $0x8, v8  }
0x2f7: {  	_ =	sdelay $0x3  }
0x2f8: {  	v8 =	vand.u32 $0xFFFFFFF8, v26;
	v27 =	vld.idx.msk [tilespmem:v13+s13+$0x0], $0xffff  }
0x2f9: {  	v28 =	vld.idx.msk [tilespmem:v12+s13+$0x0], $0xffff;
	[tilespmem:s23+$0xFFFFFE80] =	vst v24;
	v24 =	vadd.s32 v7, v8  }
0x2fa: {  	v20 =	vmul.f32 $8.000000000e+00, v16;
	v16 =	vld.idx.msk [tilespmem:v10+s13+$0x0], $0xffff;
	p2 =	por $0x1, $0x1;
	[tilespmem:s23+$0xFFFFFF00] =	vst v25;
	v25 =	vor.u32 $0x7, v24  }
.Ltmp55:
0x2fb: {  	[tilespmem:s23+$0xFFFFFE00] =	vst v22;
	v8 =	vmul.f32 $8.000000000e+00, v15;
	v15 =	vld.idx.msk [tilespmem:v19+s13+$0x0], $0xffff;
	v23 =	vmul.f32 $8.000000000e+00, v23;
	v13 =	vor.u32 $0x1, v24;
	(pc) =	sbr.rel @!p2 .LBB2_107-.Ltmp55, $4  }
0x2fc: {  	[tilespmem:s23+$0xFFFFFF80] =	vst v20;
	v12 =	vor.u32 $0x2, v24;
	v20 =	vld.idx.msk [tilespmem:v17+s13+$0x0], $0xffff;
	v10 =	vor.u32 $0x3, v24;
	v19 =	vor.u32 $0x4, v24  }
0x2fd: {  	v17 =	vor.u32 $0x5, v24;
	[tilespmem:s23+$0x0] =	vst v8;
	v8 =	vmul.f32 $8.000000000e+00, v11;
	v11 =	vld.idx.msk [tilespmem:v18+s13+$0x0], $0xffff;
	v29 =	vmul.f32 $8.000000000e+00, v14  }
0x2fe: {  	s24 =	simm.s32 $0x10A70;
	v21 =	vmul.f32 $8.000000000e+00, v9;
	v18 =	vor.u32 $0x6, v24;
	[tilespmem:s23+$0x80] =	vst v23;
	v9 =	vld.idx.msk [tilespmem:v24+s13+$0x0], $0xffff;
	v24 =	vmul.f32 $8.000000000e+00, v27  }
0x2ff: {  	s26 =	simm.s32 $0x10;
	v22 =	vadd.s32 $0x8, v26;
	p0 =	por $0x1, $0x1;
	s25 =	simm.s32 $0x10670;
	[tilespmem:s24+$0x180] =	vst v29;
	v14 =	vld.idx.msk [tilespmem:v25+s13+$0x0], $0xffff;
	v25 =	vmul.f32 $8.000000000e+00, v28  }
.LBB2_108:
0x300: {  	v23 =	vand.u32 $0xFFFFFFF8, v22;
	s26 =	sadd.s32 $0x8, s26;
	v26 =	vld.idx.msk [tilespmem:v13+s13+$0x0], $0xffff;
	[tilespmem:s24+$0xFFFFFE80] =	vst v24;
	v24 =	vmul.f32 $8.000000000e+00, v16  }
0x301: {  	v23 =	vadd.s32 v7, v23;
	p2 =	slt.u32 s26, $0x38;
	v27 =	vld.idx.msk [tilespmem:v12+s13+$0x0], $0xffff;
	[tilespmem:s24+$0xFFFFFF00] =	vst v25;
	v25 =	vmul.f32 $8.000000000e+00, v15  }
0x302: {  	v13 =	vor.u32 $0x1, v23;
	v12 =	vor.u32 $0x2, v23;
	v28 =	vor.u32 $0x7, v23;
	v16 =	vld.idx.msk [tilespmem:v10+s13+$0x0], $0xffff;
	[tilespmem:s24+$0xFFFFFF80] =	vst v24  }
.Ltmp56:
0x303: {  	v10 =	vor.u32 $0x3, v23;
	v24 =	vor.u32 $0x5, v23;
	v15 =	vld.idx.msk [tilespmem:v19+s13+$0x0], $0xffff;
	v19 =	vor.u32 $0x4, v23;
	[tilespmem:s24+$0x0] =	vst v25;
	(pc) =	sbr.rel @p2 .LBB2_108-.Ltmp56, $4  }
0x304: {  	v29 =	vmul.f32 $8.000000000e+00, v20;
	v25 =	vor.u32 $0x6, v23;
	v20 =	vld.idx.msk [tilespmem:v17+s13+$0x0], $0xffff;
	[tilespmem:s25+$0x100] =	vst v8;
	v8 =	vmul.f32 $8.000000000e+00, v11;
	v17 =	vmovc v24;
	s25 =	smov.u32 s24  }
0x305: {  	v30 =	vmul.f32 $8.000000000e+00, v14;
	v11 =	vld.idx.msk [tilespmem:v18+s13+$0x0], $0xffff;
	[tilespmem:s24+$0xFFFFFE00] =	vst v21;
	v21 =	vmul.f32 $8.000000000e+00, v9;
	v18 =	vmov v25  }
0x306: {  	v24 =	vmul.f32 $8.000000000e+00, v26;
	s24 =	sadd.s32 $0x400, s24;
	v9 =	vld.idx.msk [tilespmem:v23+s13+$0x0], $0xffff;
	[tilespmem:s25+$0x80] =	vst v29  }
0x307: {  	v22 =	vadd.s32 $0x8, v22;
	v25 =	vmul.f32 $8.000000000e+00, v27;
	v14 =	vld.idx.msk [tilespmem:v28+s13+$0x0], $0xffff;
	[tilespmem:s24+$0x180] =	vst v30  }
0x308: {  	_ = 	snop  }
0x309: {  	v22 =	vmov v21;
	v23 =	vmov v20  }
.LBB2_110:
0x30a: {  	_ =	sdelay $0x1  }
0x30b: {  	[tilespmem:s24+$0xFFFFFE80] =	vst @p1 v24  }
0x30c: {  	[tilespmem:s24+$0xFFFFFF00] =	vst @p1 v25  }
0x30d: {  	v16 =	vmul.f32 @p1 $8.000000000e+00, v16;
	v13 =	vld.idx.msk [tilespmem:v13+s13+$0x0], $0xffff;
	[tilespmem:s25+$0x100] =	vst @p0 v8  }
0x30e: {  	v15 =	vmul.f32 @p1 $8.000000000e+00, v15;
	v12 =	vld.idx.msk [tilespmem:v12+s13+$0x0], $0xffff;
	[tilespmem:s24+$0xFFFFFE00] =	vst @p1 v22  }
0x30f: {  	v10 =	vld.idx.msk [tilespmem:v10+s13+$0x0], $0xffff;
	[tilespmem:s24+$0xFFFFFF80] =	vst @p1 v16;
	v16 =	vmul.f32 @p1 $8.000000000e+00, v23  }
0x310: {  	v60 =	vld.idx.msk [tilespmem:v19+s13+$0x0], $0xffff;
	s25 =	smov.u32 @p1 s24;
	[tilespmem:s24+$0x0] =	vst @p1 v15;
	v8 =	vmul.f32 $8.000000000e+00, v14;
	s24 =	sadd.s32 @p1 $0x400, s24  }
0x311: {  	v61 =	vld.idx.msk [tilespmem:v17+s13+$0x0], $0xffff;
	v9 =	vmul.f32 $8.000000000e+00, v9;
	s23 =	smov.u32 @p1 s24;
	[tilespmem:s25+$0x80] =	vst @p1 v16  }
0x312: {  	[tilespmem:s23+$0x180] =	vst v8;
	v13 =	vmul.f32 $8.000000000e+00, v13  }
0x313: {  	v8 =	vld.idx.msk [tilespmem:v18+s13+$0x0], $0xffff;
	[tilespmem:s23+$0xFFFFFE00] =	vst v9;
	v12 =	vmul.f32 $8.000000000e+00, v12  }
0x314: {  	v10 =	vmul.f32 $8.000000000e+00, v10;
	[tilespmem:s23+$0xFFFFFE80] =	vst v13  }
0x315: {  	s21 =	sadd.s32 $0x1, s21;
	v62 =	vmul.f32 $8.000000000e+00, v60;
	[tilespmem:s23+$0xFFFFFF00] =	vst v12  }
0x316: {  	v11 =	vmul.f32 @p1 $8.000000000e+00, v11;
	p0 =	sne.s32 s21, $0x64;
	v63 =	vmul.f32 $8.000000000e+00, v61;
	[tilespmem:s23+$0xFFFFFF80] =	vst v10  }
.Ltmp57:
0x317: {  	s22 =	sshll.u32 s22, $0x12;
	[tilespmem:s23+$0x0] =	vst v62;
	(pc) =	sbr.rel @p0 .LBB2_2-.Ltmp57, $4  }
.Ltmp58:
0x318: {  	s22 =	sor.u32 s5, s22;
	s24 =	smov.u32 @p1 s25;
	v10 =	vpsel p1, v11, v0;
	[tilespmem:s23+$0x80] =	vst v63;
	v8 =	vmul.f32 $8.000000000e+00, v8;
	(pc) =	sbr.rel @!p0 .LBB2_111-.Ltmp58, $4  }
0x319: {  	s22 =	sshrl.u32 s22, $0x3;
	[tilespmem:s24+$0x100] =	vst @p1 v10  }
0x31a: {  	s22 =	sadd.s32 s3, s22;
	[tilespmem:s23+$0x100] =	vst v8  }
0x31b: {  	[hbm4b:s22+s8] =	stream.strided.scatter [tilespmem:s18], [sflag:$0x4], $0x2000, s9, s8, $0x38;
	[tilespmem:$0x12400] =	vst v63  }
0x31c: {  	_ = 	snop  }
.LBB2_7:
.Ltmp59:
0x31d: {  	(pc) =	sbr.rel .LBB2_14-.Ltmp59, $2  }
0x31e: {  	_ =	sdelay $0x2  }
0x31f: {  	s24 =	simm.s32 $0xE620;
	p4 =	por $0x0, $0x0  }
.LBB2_15:
.Ltmp60:
0x320: {  	(pc) =	sbr.rel .LBB2_22-.Ltmp60, $2  }
0x321: {  	_ =	sdelay $0x2  }
0x322: {  	s24 =	simm.s32 $0xE630;
	p2 =	por $0x0, $0x0  }
.LBB2_23:
.Ltmp61:
0x323: {  	(pc) =	sbr.rel .LBB2_30-.Ltmp61, $2  }
0x324: {  	_ =	sdelay $0x2  }
0x325: {  	s24 =	simm.s32 $0xE640;
	p4 =	por $0x0, $0x0  }
.LBB2_31:
.Ltmp62:
0x326: {  	(pc) =	sbr.rel .LBB2_38-.Ltmp62, $2  }
0x327: {  	_ =	sdelay $0x2  }
0x328: {  	s24 =	simm.s32 $0xE650;
	p2 =	por $0x0, $0x0  }
.LBB2_39:
.Ltmp63:
0x329: {  	(pc) =	sbr.rel .LBB2_46-.Ltmp63, $2  }
0x32a: {  	_ =	sdelay $0x2  }
0x32b: {  	s24 =	simm.s32 $0xE660;
	p4 =	por $0x0, $0x0  }
.LBB2_47:
.Ltmp64:
0x32c: {  	(pc) =	sbr.rel .LBB2_54-.Ltmp64, $2  }
0x32d: {  	_ =	sdelay $0x2  }
0x32e: {  	s24 =	simm.s32 $0xE670;
	p2 =	por $0x0, $0x0  }
.LBB2_63:
.Ltmp65:
0x32f: {  	(pc) =	sbr.rel .LBB2_70-.Ltmp65, $2  }
0x330: {  	_ =	sdelay $0x2  }
0x331: {  	s24 =	simm.s32 $0x10620;
	p3 =	por $0x0, $0x0  }
.LBB2_71:
.Ltmp66:
0x332: {  	(pc) =	sbr.rel .LBB2_78-.Ltmp66, $2  }
0x333: {  	_ =	sdelay $0x2  }
0x334: {  	s24 =	simm.s32 $0x10630;
	p1 =	por $0x0, $0x0  }
.LBB2_79:
.Ltmp67:
0x335: {  	(pc) =	sbr.rel .LBB2_86-.Ltmp67, $2  }
0x336: {  	_ =	sdelay $0x2  }
0x337: {  	s24 =	simm.s32 $0x10640;
	p3 =	por $0x0, $0x0  }
.LBB2_87:
.Ltmp68:
0x338: {  	(pc) =	sbr.rel .LBB2_94-.Ltmp68, $2  }
0x339: {  	_ =	sdelay $0x2  }
0x33a: {  	s24 =	simm.s32 $0x10650;
	p1 =	por $0x0, $0x0  }
.LBB2_95:
.Ltmp69:
0x33b: {  	(pc) =	sbr.rel .LBB2_102-.Ltmp69, $2  }
0x33c: {  	_ =	sdelay $0x2  }
0x33d: {  	s24 =	simm.s32 $0x10660;
	p3 =	por $0x0, $0x0  }
.LBB2_103:
.Ltmp70:
0x33e: {  	(pc) =	sbr.rel .LBB2_110-.Ltmp70, $2  }
0x33f: {  	_ =	sdelay $0x2  }
0x340: {  	s24 =	simm.s32 $0x10670;
	p1 =	por $0x0, $0x0  }
.LBB2_9:
.Ltmp71:
0x341: {  	(pc) =	sbr.rel .LBB2_14-.Ltmp71, $2  }
0x342: {  	_ =	sdelay $0x2  }
0x343: {  	s24 =	simm.s32 $0xE620;
	p4 =	por $0x0, $0x0  }
.LBB2_17:
.Ltmp72:
0x344: {  	(pc) =	sbr.rel .LBB2_22-.Ltmp72, $2  }
0x345: {  	_ =	sdelay $0x2  }
0x346: {  	s24 =	simm.s32 $0xE630  }
.LBB2_25:
.Ltmp73:
0x347: {  	(pc) =	sbr.rel .LBB2_30-.Ltmp73, $2  }
0x348: {  	_ =	sdelay $0x2  }
0x349: {  	s24 =	simm.s32 $0xE640;
	p4 =	por $0x0, $0x0  }
.LBB2_33:
.Ltmp74:
0x34a: {  	(pc) =	sbr.rel .LBB2_38-.Ltmp74, $2  }
0x34b: {  	_ =	sdelay $0x2  }
0x34c: {  	s24 =	simm.s32 $0xE650  }
.LBB2_41:
.Ltmp75:
0x34d: {  	(pc) =	sbr.rel .LBB2_46-.Ltmp75, $2  }
0x34e: {  	_ =	sdelay $0x2  }
0x34f: {  	s24 =	simm.s32 $0xE660;
	p4 =	por $0x0, $0x0  }
.LBB2_49:
.Ltmp76:
0x350: {  	(pc) =	sbr.rel .LBB2_54-.Ltmp76, $2  }
0x351: {  	_ =	sdelay $0x2  }
0x352: {  	s24 =	simm.s32 $0xE670  }
.LBB2_65:
.Ltmp77:
0x353: {  	(pc) =	sbr.rel .LBB2_70-.Ltmp77, $2  }
0x354: {  	_ =	sdelay $0x2  }
0x355: {  	s24 =	simm.s32 $0x10620;
	p3 =	por $0x0, $0x0  }
.LBB2_73:
.Ltmp78:
0x356: {  	(pc) =	sbr.rel .LBB2_78-.Ltmp78, $2  }
0x357: {  	_ =	sdelay $0x2  }
0x358: {  	s24 =	simm.s32 $0x10630  }
.LBB2_81:
.Ltmp79:
0x359: {  	(pc) =	sbr.rel .LBB2_86-.Ltmp79, $2  }
0x35a: {  	_ =	sdelay $0x2  }
0x35b: {  	s24 =	simm.s32 $0x10640;
	p3 =	por $0x0, $0x0  }
.LBB2_89:
.Ltmp80:
0x35c: {  	(pc) =	sbr.rel .LBB2_94-.Ltmp80, $2  }
0x35d: {  	_ =	sdelay $0x2  }
0x35e: {  	s24 =	simm.s32 $0x10650  }
.LBB2_97:
.Ltmp81:
0x35f: {  	(pc) =	sbr.rel .LBB2_102-.Ltmp81, $2  }
0x360: {  	_ =	sdelay $0x2  }
0x361: {  	s24 =	simm.s32 $0x10660;
	p3 =	por $0x0, $0x0  }
.LBB2_105:
.Ltmp82:
0x362: {  	(pc) =	sbr.rel .LBB2_110-.Ltmp82, $2  }
0x363: {  	_ =	sdelay $0x2  }
0x364: {  	s24 =	simm.s32 $0x10670  }
.LBB2_11:
.Ltmp83:
0x365: {  	(pc) =	sbr.rel .LBB2_14-.Ltmp83, $2  }
0x366: {  	_ =	sdelay $0x2  }
0x367: {  	s25 =	simm.s32 $0xE620;
	v24 =	vmov v23;
	v25 =	vmov v22  }
.LBB2_19:
.Ltmp84:
0x368: {  	(pc) =	sbr.rel .LBB2_22-.Ltmp84, $2  }
0x369: {  	_ =	sdelay $0x2  }
0x36a: {  	s25 =	simm.s32 $0xE630;
	v22 =	vmov v21;
	v23 =	vmov v20  }
.LBB2_27:
.Ltmp85:
0x36b: {  	(pc) =	sbr.rel .LBB2_30-.Ltmp85, $2  }
0x36c: {  	_ =	sdelay $0x2  }
0x36d: {  	s25 =	simm.s32 $0xE640;
	v24 =	vmov v23;
	v25 =	vmov v22  }
.LBB2_35:
.Ltmp86:
0x36e: {  	(pc) =	sbr.rel .LBB2_38-.Ltmp86, $2  }
0x36f: {  	_ =	sdelay $0x2  }
0x370: {  	s25 =	simm.s32 $0xE650;
	v22 =	vmov v21;
	v23 =	vmov v20  }
.LBB2_43:
.Ltmp87:
0x371: {  	(pc) =	sbr.rel .LBB2_46-.Ltmp87, $2  }
0x372: {  	_ =	sdelay $0x2  }
0x373: {  	s25 =	simm.s32 $0xE660;
	v24 =	vmov v23;
	v25 =	vmov v22  }
.LBB2_51:
.Ltmp88:
0x374: {  	(pc) =	sbr.rel .LBB2_54-.Ltmp88, $2  }
0x375: {  	_ =	sdelay $0x2  }
0x376: {  	s25 =	simm.s32 $0xE670;
	v22 =	vmov v21;
	v23 =	vmov v20  }
.LBB2_67:
.Ltmp89:
0x377: {  	(pc) =	sbr.rel .LBB2_70-.Ltmp89, $2  }
0x378: {  	_ =	sdelay $0x2  }
0x379: {  	s25 =	simm.s32 $0x10620;
	v24 =	vmov v23;
	v25 =	vmov v22  }
.LBB2_75:
.Ltmp90:
0x37a: {  	(pc) =	sbr.rel .LBB2_78-.Ltmp90, $2  }
0x37b: {  	_ =	sdelay $0x2  }
0x37c: {  	s25 =	simm.s32 $0x10630;
	v22 =	vmov v21;
	v23 =	vmov v20  }
.LBB2_83:
.Ltmp91:
0x37d: {  	(pc) =	sbr.rel .LBB2_86-.Ltmp91, $2  }
0x37e: {  	_ =	sdelay $0x2  }
0x37f: {  	s25 =	simm.s32 $0x10640;
	v24 =	vmov v23;
	v25 =	vmov v22  }
.LBB2_91:
.Ltmp92:
0x380: {  	(pc) =	sbr.rel .LBB2_94-.Ltmp92, $2  }
0x381: {  	_ =	sdelay $0x2  }
0x382: {  	s25 =	simm.s32 $0x10650;
	v22 =	vmov v21;
	v23 =	vmov v20  }
.LBB2_99:
.Ltmp93:
0x383: {  	(pc) =	sbr.rel .LBB2_102-.Ltmp93, $2  }
0x384: {  	_ =	sdelay $0x2  }
0x385: {  	s25 =	simm.s32 $0x10660;
	v24 =	vmov v23;
	v25 =	vmov v22  }
.LBB2_107:
.Ltmp94:
0x386: {  	(pc) =	sbr.rel .LBB2_110-.Ltmp94, $2  }
0x387: {  	_ =	sdelay $0x2  }
0x388: {  	s25 =	simm.s32 $0x10670;
	v22 =	vmov v21;
	v23 =	vmov v20  }
.LBB2_112:
0x389: {  	_ =	sfence.sel $0x180000  }
0x38a: {  	[bflag:$0x0] =	sbarrier.arrive $0xFFFF  }
0x38b: {  	p0 =	sne.s32 s2, $0x0;
	_ =	strace $0x90000047  }
0x38c: {  	s0 =	sadd.s32 @!p0 $0x100000, s0;
	[bflag:$0x2] =	sbarrier.arrive $0xFFFF  }
0x38d: {  	[sflag:s0] =	ssyncadd.tile.s32 @!p0 $0x1;
	_ =	shalt  }
.Lfunc_end2:
_tile_overlayer_lowered:
.L_overlay_start_2:
0x38e: {  	(tag) =	ssettag $0x2  }
0x38f: {  	s0 =	rddreg [dreg:$0x0];
	s2 =	stileid.u32  }
0x390: {  	s1 =	rddreg [dreg:$0x1];
	p0 =	sne.s32 s2, $0x0  }
0x391: {  	s3 =	rddreg [dreg:$0x2];
	[bflag:$0x3] =	sbarrier.arrive $0xFFFF;
	s2 =	simm.s32 @!p0 $0x1C05  }
0x392: {  	[timem:s3], [sflag:s2] =	dma.local @!p0 [hbm:s0], s1  }
0x393: {  	s0 =	simm.s32 @!p0 $0x5  }
0x394: {  	_ =	swait.ge @!p0 [sflag:s0], s1  }
0x395: {  	s1 =	ssub.s32 @!p0 $0x0, s1;
	[sflag:s0] =	ssyncset.done @!p0 $0x0  }
0x396: {  	[sflag:s0] =	ssyncadd.s32 @!p0 s1  }
0x397: {  	[bflag:$0x3] =	sbarrier.arrive $0xFFFF  }
0x398: {  	_ =	shalt  }

</sc_bundles>
